<compile_context>
chip_gen: v7x
topology: tpu7x:2x2x1
jax: 0.10.2.dev20260603
libtpu: 0.0.44.dev20260713+nightly
codegen_flags: <defaults>
</compile_context>

<pallas_src>
import functools

import jax
import jax.numpy as jnp
from jax import lax
from jax.experimental import pallas as pl
from jax.experimental.pallas import tpu as pltpu
import jax.experimental.pallas.tpu_sc as plsc

N = 10000
D = 128
E = 160000
G = 320000
NEI = 16

NCHUNK = 1
NNC = N // NCHUNK
EC = E // NCHUNK

RC = 3 * EC
NC, NS = 2, 16
NW = NC * NS
CH = 120
SUP = CH
RP = RC
PER_W = RP // NW
NSUP = PER_W // SUP

NB = 200
EB = NB * NEI
NBLK = NNC // NB


def _gather_rows(table, idx):
    mesh = plsc.VectorSubcoreMesh(core_axis_name="c", subcore_axis_name="s")

    @functools.partial(
        pl.kernel,
        mesh=mesh,
        out_type=jax.ShapeDtypeStruct((RP, D), jnp.float32),
        scratch_types=[
            pltpu.VMEM((PER_W,), jnp.int32),
            pltpu.VMEM((2, SUP, D), jnp.float32),
            pltpu.SemaphoreType.DMA,
            pltpu.SemaphoreType.DMA,
            pltpu.SemaphoreType.DMA,
            pltpu.SemaphoreType.DMA,
        ],
    )
    def k(table_hbm, idx_hbm, out_hbm, idx_v, rows_v, gsem0, gsem1, wsem0,
          wsem1):
        wid = lax.axis_index("s") * NC + lax.axis_index("c")
        base = wid * PER_W
        pltpu.sync_copy(idx_hbm.at[pl.ds(pl.multiple_of(base, 8), PER_W)],
                        idx_v)
        gsems = (gsem0, gsem1)
        wsems = (wsem0, wsem1)

        def super_step(j, b, drain):
            off = pl.multiple_of(base + j * SUP, 8)
            buf = rows_v.at[b]

            @pl.when(drain)
            def _():
                pltpu.make_async_copy(buf, out_hbm.at[pl.ds(off, SUP)],
                                      wsems[b]).wait()

            pltpu.async_copy(
                table_hbm.at[idx_v.at[pl.ds(j * SUP, SUP)]], buf, gsems[b]
            ).wait()
            pltpu.async_copy(buf, out_hbm.at[pl.ds(off, SUP)], wsems[b])

        def body(i, carry):
            super_step(2 * i, 0, i >= 1)
            super_step(2 * i + 1, 1, i >= 1)
            return carry

        lax.fori_loop(0, NSUP // 2, body, 0)
        if NSUP % 2 == 1:
            super_step(NSUP - 1, 0, NSUP >= 3)
            off0 = pl.multiple_of(base + (NSUP - 1) * SUP, 8)
            off1 = pl.multiple_of(base + (NSUP - 2) * SUP, 8)
        else:
            off0 = pl.multiple_of(base + (NSUP - 2) * SUP, 8)
            off1 = pl.multiple_of(base + (NSUP - 1) * SUP, 8)
        pltpu.make_async_copy(rows_v.at[0], out_hbm.at[pl.ds(off0, SUP)],
                              wsem0).wait()
        pltpu.make_async_copy(rows_v.at[1], out_hbm.at[pl.ds(off1, SUP)],
                              wsem1).wait()

    return k(table, idx)


def _tc_body(nbr_ref, gde_ref, gdo_ref, dege_ref, dego_ref, dist_ref, repr_ref,
             wgd1a_ref, wgd1d_ref, bgd1_ref, wq_ref, bq_ref, w2k_ref, bk2_ref,
             b2_ref, bv2_ref, wng1a_ref, wng1b_ref, wng1d_ref, bng1_ref,
             wng2_ref, bng2_ref, wnn1a_ref, wnn1b_ref, bnn1_ref, wnn2_ref,
             bnn2_ref, out_ref):
    f32 = jnp.float32
    bf16 = jnp.bfloat16
    mm = lambda a, b: jnp.dot(a, b, preferred_element_type=f32)
    nbr16 = nbr_ref[...].astype(bf16)
    gde16 = gde_ref[...].astype(bf16)
    gdo16 = gdo_ref[...].astype(bf16)

    h0 = jax.nn.relu(mm(gde16, wgd1a_ref[...])
                     + dege_ref[...] * wgd1d_ref[...] + bgd1_ref[...])
    h1 = jax.nn.relu(mm(gdo16, wgd1a_ref[...])
                     + dego_ref[...] * wgd1d_ref[...] + bgd1_ref[...])
    h016 = h0.astype(bf16)
    h116 = h1.astype(bf16)

    q = mm(nbr16, wq_ref[...]) + bq_ref[...]
    k0 = mm(h016, w2k_ref[...]) + bk2_ref[...]
    k1 = mm(h116, w2k_ref[...]) + bk2_ref[...]
    scale = 1.0 / (128.0 ** 0.5)
    a0 = jax.nn.sigmoid(jnp.sum(q * k0, axis=1, keepdims=True) * scale)
    a1 = jax.nn.sigmoid(jnp.sum(q * k1, axis=1, keepdims=True) * scale)

    wh = a0.astype(bf16) * h016 + a1.astype(bf16) * h116
    cg = (mm(wh, b2_ref[...]) + (a0 + a1) * bv2_ref[...]) * 0.5

    u = jax.nn.relu(mm(cg.astype(bf16), wng1a_ref[...])
                    + mm(nbr16, wng1b_ref[...])
                    + dist_ref[...] * wng1d_ref[...] + bng1_ref[...])
    comb = mm(u.astype(bf16), wng2_ref[...]) + bng2_ref[...]

    agg = jnp.sum(comb.reshape(NB, NEI, D), axis=1)

    z = jax.nn.relu(mm(agg.astype(bf16), wnn1a_ref[...])
                    + mm(repr_ref[...], wnn1b_ref[...]) + bnn1_ref[...])
    out_ref[...] = mm(z.astype(bf16), wnn2_ref[...]) + bnn2_ref[...]


def _fused_tc(gathered, dege, dego, dist2, reprt, weights):
    full = lambda shape: pl.BlockSpec(shape, lambda i: (0, 0))
    wspecs = [full(w.shape) for w in weights]
    return pl.pallas_call(
        _tc_body,
        grid=(NBLK,),
        in_specs=[
            pl.BlockSpec((EB, D), lambda i: (i, 0)),
            pl.BlockSpec((EB, D), lambda i: (i + NBLK, 0)),
            pl.BlockSpec((EB, D), lambda i: (i + 2 * NBLK, 0)),
            pl.BlockSpec((EB, 1), lambda i: (i, 0)),
            pl.BlockSpec((EB, 1), lambda i: (i, 0)),
            pl.BlockSpec((EB, 1), lambda i: (i, 0)),
            pl.BlockSpec((NB, D), lambda i: (i, 0)),
        ] + wspecs,
        out_specs=pl.BlockSpec((NB, D), lambda i: (i, 0)),
        out_shape=jax.ShapeDtypeStruct((NNC, D), jnp.float32),
    )(gathered, gathered, gathered, dege, dego, dist2, reprt, *weights)


def kernel(repr, nodes, neighbors, neighbor_count, dist, gd, gd_count, gd_deg,
           Wgd1, bgd1, Wgd2, bgd2, Wng1, bng1, Wng2, bng2, Wnn1, bnn1, Wnn2,
           bnn2, WQ, bQ, WK, bK, WV, bV):
    del nodes, neighbor_count, gd_count
    gde_idx = gd[0::2]
    gdo_idx = gd[1::2]
    idxs = [
        jnp.concatenate([neighbors[c * EC:(c + 1) * EC],
                         gde_idx[c * EC:(c + 1) * EC],
                         gdo_idx[c * EC:(c + 1) * EC]])
        for c in range(NCHUNK)
    ]
    repr16 = repr.astype(jnp.bfloat16)

    dege = gd_deg[0::2].reshape(E, 1)
    dego = gd_deg[1::2].reshape(E, 1)
    dist2 = dist.reshape(E, 1)

    bk2 = bgd2 @ WK + bK
    bf16 = jnp.bfloat16
    b16 = lambda x: x.astype(bf16)
    weights = (
        b16(Wgd1[:D]), Wgd1[D].reshape(1, -1), bgd1.reshape(1, -1),
        b16(WQ), bQ.reshape(1, -1),
        b16(Wgd2 @ WK), bk2.reshape(1, -1),
        b16(Wgd2 @ WV), (bgd2 @ WV + bV).reshape(1, -1),
        b16(Wng1[:D]), b16(Wng1[D:2 * D]),
        Wng1[2 * D].reshape(1, -1),
        bng1.reshape(1, -1), b16(Wng2), bng2.reshape(1, -1),
        b16(Wnn1[:D]), b16(Wnn1[D:]), bnn1.reshape(1, -1),
        b16(Wnn2), bnn2.reshape(1, -1),
    )
    outs = []
    for c in range(NCHUNK):
        gathered = _gather_rows(repr, idxs[c])
        sl = slice(c * EC, (c + 1) * EC)
        outs.append(_fused_tc(gathered, dege[sl], dego[sl], dist2[sl],
                              repr16[c * NNC:(c + 1) * NNC], weights))
    return jnp.concatenate(outs, axis=0)

# --- scband reference (transcript-rebuilt; emitter-appended) ---
"""Pipeline reference for scband-gdattn-transform-8057358647578 (READ-ONLY COPY).

The authoritative reference and input builder live on the scoring server;
editing this copy changes nothing except your own understanding.
"""

import jax, jax.numpy as jnp
import numpy as np

N = 10000
D = 128
E = 160000   # total neighbors (16 per node)
G = 320000   # total vertical geodesics (2 per neighbor)
NEI = 16
GDC = 2


def _mlp(x, W1, b1, W2, b2):
    h = jax.nn.relu(x @ W1 + b1)
    return h @ W2 + b2


def setup_inputs(seed: int = 0) -> dict:
    key = jax.random.key(seed)
    ks = jax.random.split(key, 24)
    inp = {}
    inp["repr"] = jax.random.normal(ks[0], (N, D), dtype=jnp.float32)
    inp["nodes"] = jnp.arange(N, dtype=jnp.int32)
    inp["neighbors"] = jax.random.randint(ks[1], (E,), 0, N, dtype=jnp.int32)
    inp["neighbor_count"] = jnp.full((N,), NEI, dtype=jnp.int32)
    inp["dist"] = jax.random.uniform(ks[2], (E,), dtype=jnp.float32)
    inp["gd"] = jax.random.randint(ks[3], (G,), 0, N, dtype=jnp.int32)
    inp["gd_count"] = jnp.full((E,), GDC, dtype=jnp.int32)
    inp["gd_deg"] = jax.random.uniform(ks[4], (G,), dtype=jnp.float32) * 10.0
    s = 0.05
    # mlp_combine_gd_deg: h_units=[D+1, 2D, D]
    inp["Wgd1"] = jax.random.normal(ks[5], (D + 1, 2 * D), dtype=jnp.float32) * s
    inp["bgd1"] = jnp.zeros((2 * D,), dtype=jnp.float32)
    inp["Wgd2"] = jax.random.normal(ks[6], (2 * D, D), dtype=jnp.float32) * s
    inp["bgd2"] = jnp.zeros((D,), dtype=jnp.float32)
    # mlp_combine_nei_gd: h_units=[2D+1, 4D, D]
    inp["Wng1"] = jax.random.normal(ks[7], (2 * D + 1, 4 * D), dtype=jnp.float32) * s
    inp["bng1"] = jnp.zeros((4 * D,), dtype=jnp.float32)
    inp["Wng2"] = jax.random.normal(ks[8], (4 * D, D), dtype=jnp.float32) * s
    inp["bng2"] = jnp.zeros((D,), dtype=jnp.float32)
    # mlp_combine_node_nei: h_units=[2D, 4D, D]
    inp["Wnn1"] = jax.random.normal(ks[9], (2 * D, 4 * D), dtype=jnp.float32) * s
    inp["bnn1"] = jnp.zeros((4 * D,), dtype=jnp.float32)
    inp["Wnn2"] = jax.random.normal(ks[10], (4 * D, D), dtype=jnp.float32) * s
    inp["bnn2"] = jnp.zeros((D,), dtype=jnp.float32)
    # Q, K, V linear layers
    inp["WQ"] = jax.random.normal(ks[11], (D, D), dtype=jnp.float32) * s
    inp["bQ"] = jnp.zeros((D,), dtype=jnp.float32)
    inp["WK"] = jax.random.normal(ks[12], (D, D), dtype=jnp.float32) * s
    inp["bK"] = jnp.zeros((D,), dtype=jnp.float32)
    inp["WV"] = jax.random.normal(ks[13], (D, D), dtype=jnp.float32) * s
    inp["bV"] = jnp.zeros((D,), dtype=jnp.float32)
    return inp


def reference(repr, nodes, neighbors, neighbor_count, dist, gd, gd_count, gd_deg,
              Wgd1, bgd1, Wgd2, bgd2, Wng1, bng1, Wng2, bng2, Wnn1, bnn1, Wnn2, bnn2,
              WQ, bQ, WK, bK, WV, bV):
    neighbors_repr = jnp.take(repr, neighbors, axis=0)            # [E, D] gather
    gd_repr = jnp.take(repr, gd, axis=0)                          # [G, D] gather
    # combine gd repr with gd degree
    gd_repr = _mlp(jnp.concatenate([gd_repr, gd_deg[:, None]], axis=-1), Wgd1, bgd1, Wgd2, bgd2)
    # source (owning neighbor) repr repeated per geodesic
    og_nodes = jnp.repeat(neighbors_repr, gd_count, axis=0, total_repeat_length=G)  # [G, D]
    q = og_nodes @ WQ + bQ
    k = gd_repr @ WK + bK
    attnwts = jax.nn.sigmoid(jnp.sum(q * k, axis=1) / jnp.sqrt(jnp.float32(D)))     # [G]
    v = gd_repr @ WV + bV
    gd_group = jnp.repeat(jnp.arange(E, dtype=jnp.int32), gd_count, total_repeat_length=G)
    # weighted mean scatter over geodesics of each neighbor
    sgd = jax.ops.segment_sum(v * attnwts[:, None], gd_group, num_segments=E)       # [E, D]
    combined_gd_repr = sgd / jnp.maximum(gd_count, 1).astype(jnp.float32)[:, None]
    combined_repr = _mlp(jnp.concatenate([combined_gd_repr, neighbors_repr, dist[:, None]], axis=-1),
                         Wng1, bng1, Wng2, bng2)                                    # [E, D]
    nei_group = jnp.repeat(jnp.arange(N, dtype=jnp.int32), neighbor_count, total_repeat_length=E)
    agg = jax.ops.segment_sum(combined_repr, nei_group, num_segments=N)             # [N, D] scatter-add
    node_repr = _mlp(jnp.concatenate([agg, jnp.take(repr, nodes, axis=0)], axis=-1),
                     Wnn1, bnn1, Wnn2, bnn2)                                        # [N, D]
    return node_repr

if __name__ == "__main__":
    import jax
    _d = setup_inputs()
    print(jax.jit(kernel)(*tuple(_d.values())))

</pallas_src>

<mosaic_0001>
#map = affine_map<(d0, d1) -> (0, 0)>
#map1 = affine_map<(d0, d1) -> (0)>
module attributes {stable_mosaic.version = 14 : i64} {
  func.func @k(%arg0: i32, %arg1: i32, %arg2: memref<10000x128xf32, #tpu.memory_space<hbm>>, %arg3: memref<480000xi32, #tpu.memory_space<hbm>>, %arg4: memref<480000x128xf32, #tpu.memory_space<hbm>>, %arg5: memref<15000xi32, #tpu.memory_space<vmem>>, %arg6: memref<2x120x128xf32, #tpu.memory_space<vmem>>, %arg7: memref<!tpu.dma_semaphore, #tpu.memory_space<semaphore_mem>>, %arg8: memref<!tpu.dma_semaphore, #tpu.memory_space<semaphore_mem>>, %arg9: memref<!tpu.dma_semaphore, #tpu.memory_space<semaphore_mem>>, %arg10: memref<!tpu.dma_semaphore, #tpu.memory_space<semaphore_mem>>) attributes {dimension_semantics = [#tpu.dimension_semantics<core_parallel>, #tpu.dimension_semantics<subcore_parallel>], iteration_bounds = array<i64: 2, 16>, scalar_prefetch = 0 : i64, scratch_operands = 6 : i64, tpu.core_type = #tpu.core_type<sc_vector_subcore>, window_params = [{transform_indices = #map}, {transform_indices = #map1}, {transform_indices = #map}]} {
    %mul3A = arith.constant 2 : i32
    %mul3A_0 = arith.muli %arg1, %mul3A : i32
    %add3A = arith.addi %mul3A_0, %arg0 : i32
    %mul3A_1 = arith.constant 15000 : i32
    %mul3A_2 = arith.muli %add3A, %mul3A_1 : i32
    %multiple_of3A = tpu.assume_multiple %mul3A_2, 8 : i32
    "tpu.region"() ({
      %run_scoped3A = tpu.sem_alloc : memref<!tpu.dma_semaphore, #tpu.memory_space<semaphore_mem>>
      %dma_start3A_87 = tpu.memref_slice %arg3[%multiple_of3A] : memref<480000xi32, #tpu.memory_space<hbm>> -> memref<15000xi32, #tpu.memory_space<hbm>>
      %dma_start3A_88 = tpu.memref_slice %arg3[%multiple_of3A] : memref<480000xi32, #tpu.memory_space<hbm>> -> memref<15000xi32, #tpu.memory_space<hbm>>
      tpu.enqueue_dma source(%dma_start3A_88 : memref<15000xi32, #tpu.memory_space<hbm>>) target(%arg5 : memref<15000xi32, #tpu.memory_space<vmem>>) target_semaphore(%run_scoped3A : memref<!tpu.dma_semaphore, #tpu.memory_space<semaphore_mem>>)
      %dma_wait3A_89 = tpu.memref_slice %arg3[%multiple_of3A] : memref<480000xi32, #tpu.memory_space<hbm>> -> memref<15000xi32, #tpu.memory_space<hbm>>
      %dma_wait3A_90 = tpu.memref_slice %arg3[%multiple_of3A] : memref<480000xi32, #tpu.memory_space<hbm>> -> memref<15000xi32, #tpu.memory_space<hbm>>
      tpu.wait_dma2 semaphore(%run_scoped3A : memref<!tpu.dma_semaphore, #tpu.memory_space<semaphore_mem>>) src(%dma_wait3A_90 : memref<15000xi32, #tpu.memory_space<hbm>>) dst(%arg5 : memref<15000xi32, #tpu.memory_space<vmem>>)
      tpu.yield
    }) : () -> ()
    %scan3A = arith.constant 0 : i32
    %scan3A_3 = arith.constant 0 : i32
    %scan3A_4 = arith.constant 62 : i32
    %scan3A_5 = arith.addi %scan3A_3, %scan3A_4 : i32
    %scan3A_6 = arith.constant 1 : i32
    scf.for %scan3A_87 = %scan3A_3 to %scan3A_5 step %scan3A_6  : i32 {
      %mul3A_88 = arith.constant 2 : i32
      %mul3A_89 = arith.muli %mul3A_88, %scan3A_87 : i32
      %ge3A = arith.constant 1 : i32
      %ge3A_90 = arith.cmpi sge, %scan3A_87, %ge3A : i32
      %mul3A_91 = arith.constant 120 : i32
      %mul3A_92 = arith.muli %mul3A_89, %mul3A_91 : i32
      %add3A_93 = arith.addi %mul3A_2, %mul3A_92 : i32
      %multiple_of3A_94 = tpu.assume_multiple %add3A_93, 8 : i32
      %convert_element_type3A = arith.extui %ge3A_90 : i1 to i32
      %cond3A = arith.constant 0 : i32
      %cond3A_95 = arith.constant 0 : i32
      %cond3A_96 = arith.cmpi ne, %convert_element_type3A, %cond3A_95 : i32
      scf.if %cond3A_96 {
        %dma_wait3A_177 = arith.constant 0 : i32
        %dma_wait3A_178 = arith.constant 0 : i32
        %dma_wait3A_179 = tpu.memref_slice %arg6[%cond3A, %dma_wait3A_177, %dma_wait3A_178] : memref<2x120x128xf32, #tpu.memory_space<vmem>> -> memref<1x120x128xf32, #tpu.memory_space<vmem>>
        %dma_wait3A_180 = tpu.memref_squeeze %dma_wait3A_179 : memref<1x120x128xf32, #tpu.memory_space<vmem>> -> memref<120x128xf32, #tpu.memory_space<vmem>>
        %dma_wait3A_181 = arith.constant 0 : i32
        %dma_wait3A_182 = tpu.memref_slice %arg4[%multiple_of3A_94, %dma_wait3A_181] : memref<480000x128xf32, #tpu.memory_space<hbm>> -> memref<120x128xf32, #tpu.memory_space<hbm>>
        %dma_wait3A_183 = arith.constant 0 : i32
        %dma_wait3A_184 = tpu.memref_slice %arg4[%multiple_of3A_94, %dma_wait3A_183] : memref<480000x128xf32, #tpu.memory_space<hbm>> -> memref<120x128xf32, #tpu.memory_space<hbm>>
        %dma_wait3A_185 = arith.constant 0 : i32
        %dma_wait3A_186 = arith.constant 0 : i32
        %dma_wait3A_187 = tpu.memref_slice %arg6[%cond3A, %dma_wait3A_185, %dma_wait3A_186] : memref<2x120x128xf32, #tpu.memory_space<vmem>> -> memref<1x120x128xf32, #tpu.memory_space<vmem>>
        %dma_wait3A_188 = tpu.memref_squeeze %dma_wait3A_187 : memref<1x120x128xf32, #tpu.memory_space<vmem>> -> memref<120x128xf32, #tpu.memory_space<vmem>>
        tpu.wait_dma2 semaphore(%arg9 : memref<!tpu.dma_semaphore, #tpu.memory_space<semaphore_mem>>) src(%dma_wait3A_188 : memref<120x128xf32, #tpu.memory_space<vmem>>) dst(%dma_wait3A_184 : memref<120x128xf32, #tpu.memory_space<hbm>>)
      } else {
      }
      %mul3A_97 = arith.constant 120 : i32
      %mul3A_98 = arith.muli %mul3A_89, %mul3A_97 : i32
      %dma_start3A_99 = arith.constant 0 : i32
      %dma_start3A_100 = arith.constant 0 : i32
      %dma_start3A_101 = arith.constant 0 : i32
      %dma_start3A_102 = tpu.memref_slice %arg6[%dma_start3A_99, %dma_start3A_100, %dma_start3A_101] : memref<2x120x128xf32, #tpu.memory_space<vmem>> -> memref<1x120x128xf32, #tpu.memory_space<vmem>>
      %dma_start3A_103 = tpu.memref_squeeze %dma_start3A_102 : memref<1x120x128xf32, #tpu.memory_space<vmem>> -> memref<120x128xf32, #tpu.memory_space<vmem>>
      %dma_start3A_104 = tpu.memref_slice %arg5[%mul3A_98] : memref<15000xi32, #tpu.memory_space<vmem>> -> memref<120xi32, #tpu.memory_space<vmem>>
      %dma_start3A_105 = arith.constant 0 : i32
      %dma_start3A_106 = arith.constant 0 : i32
      %dma_start3A_107 = tpu.memref_slice %arg2[%dma_start3A_105, %dma_start3A_106] : memref<10000x128xf32, #tpu.memory_space<hbm>> -> memref<10000x128xf32, #tpu.memory_space<hbm>>
      tpu.enqueue_indirect_dma source(%dma_start3A_107 : memref<10000x128xf32, #tpu.memory_space<hbm>>) target(%dma_start3A_103 : memref<120x128xf32, #tpu.memory_space<vmem>>) offsets(%dma_start3A_104 : memref<120xi32, #tpu.memory_space<vmem>>) semaphore(%arg7 : memref<!tpu.dma_semaphore, #tpu.memory_space<semaphore_mem>>)
      %dma_wait3A_108 = arith.constant 0 : i32
      %dma_wait3A_109 = arith.constant 0 : i32
      %dma_wait3A_110 = arith.constant 0 : i32
      %dma_wait3A_111 = tpu.memref_slice %arg6[%dma_wait3A_108, %dma_wait3A_109, %dma_wait3A_110] : memref<2x120x128xf32, #tpu.memory_space<vmem>> -> memref<1x120x128xf32, #tpu.memory_space<vmem>>
      %dma_wait3A_112 = tpu.memref_squeeze %dma_wait3A_111 : memref<1x120x128xf32, #tpu.memory_space<vmem>> -> memref<120x128xf32, #tpu.memory_space<vmem>>
      %dma_wait3A_113 = tpu.memref_slice %arg5[%mul3A_98] : memref<15000xi32, #tpu.memory_space<vmem>> -> memref<120xi32, #tpu.memory_space<vmem>>
      %dma_wait3A_114 = arith.constant 0 : i32
      %dma_wait3A_115 = arith.constant 0 : i32
      %dma_wait3A_116 = tpu.memref_slice %arg2[%dma_wait3A_114, %dma_wait3A_115] : memref<10000x128xf32, #tpu.memory_space<hbm>> -> memref<10000x128xf32, #tpu.memory_space<hbm>>
      tpu.wait_indirect_dma semaphore(%arg7 : memref<!tpu.dma_semaphore, #tpu.memory_space<semaphore_mem>>) src(%dma_wait3A_116 : memref<10000x128xf32, #tpu.memory_space<hbm>>) dst(%dma_wait3A_112 : memref<120x128xf32, #tpu.memory_space<vmem>>)
      %dma_start3A_117 = arith.constant 0 : i32
      %dma_start3A_118 = arith.constant 0 : i32
      %dma_start3A_119 = arith.constant 0 : i32
      %dma_start3A_120 = tpu.memref_slice %arg6[%dma_start3A_117, %dma_start3A_118, %dma_start3A_119] : memref<2x120x128xf32, #tpu.memory_space<vmem>> -> memref<1x120x128xf32, #tpu.memory_space<vmem>>
      %dma_start3A_121 = tpu.memref_squeeze %dma_start3A_120 : memref<1x120x128xf32, #tpu.memory_space<vmem>> -> memref<120x128xf32, #tpu.memory_space<vmem>>
      %dma_start3A_122 = arith.constant 0 : i32
      %dma_start3A_123 = tpu.memref_slice %arg4[%multiple_of3A_94, %dma_start3A_122] : memref<480000x128xf32, #tpu.memory_space<hbm>> -> memref<120x128xf32, #tpu.memory_space<hbm>>
      %dma_start3A_124 = arith.constant 0 : i32
      %dma_start3A_125 = tpu.memref_slice %arg4[%multiple_of3A_94, %dma_start3A_124] : memref<480000x128xf32, #tpu.memory_space<hbm>> -> memref<120x128xf32, #tpu.memory_space<hbm>>
      %dma_start3A_126 = arith.constant 0 : i32
      %dma_start3A_127 = arith.constant 0 : i32
      %dma_start3A_128 = tpu.memref_slice %arg6[%dma_start3A_117, %dma_start3A_126, %dma_start3A_127] : memref<2x120x128xf32, #tpu.memory_space<vmem>> -> memref<1x120x128xf32, #tpu.memory_space<vmem>>
      %dma_start3A_129 = tpu.memref_squeeze %dma_start3A_128 : memref<1x120x128xf32, #tpu.memory_space<vmem>> -> memref<120x128xf32, #tpu.memory_space<vmem>>
      tpu.enqueue_dma source(%dma_start3A_129 : memref<120x128xf32, #tpu.memory_space<vmem>>) target(%dma_start3A_125 : memref<120x128xf32, #tpu.memory_space<hbm>>) target_semaphore(%arg9 : memref<!tpu.dma_semaphore, #tpu.memory_space<semaphore_mem>>)
      %mul3A_130 = arith.constant 2 : i32
      %mul3A_131 = arith.muli %mul3A_130, %scan3A_87 : i32
      %add3A_132 = arith.constant 1 : i32
      %add3A_133 = arith.addi %mul3A_131, %add3A_132 : i32
      %ge3A_134 = arith.constant 1 : i32
      %ge3A_135 = arith.cmpi sge, %scan3A_87, %ge3A_134 : i32
      %mul3A_136 = arith.constant 120 : i32
      %mul3A_137 = arith.muli %add3A_133, %mul3A_136 : i32
      %add3A_138 = arith.addi %mul3A_2, %mul3A_137 : i32
      %multiple_of3A_139 = tpu.assume_multiple %add3A_138, 8 : i32
      %convert_element_type3A_140 = arith.extui %ge3A_135 : i1 to i32
      %cond3A_141 = arith.constant 1 : i32
      %cond3A_142 = arith.constant 0 : i32
      %cond3A_143 = arith.cmpi ne, %convert_element_type3A_140, %cond3A_142 : i32
      scf.if %cond3A_143 {
        %dma_wait3A_177 = arith.constant 0 : i32
        %dma_wait3A_178 = arith.constant 0 : i32
        %dma_wait3A_179 = tpu.memref_slice %arg6[%cond3A_141, %dma_wait3A_177, %dma_wait3A_178] : memref<2x120x128xf32, #tpu.memory_space<vmem>> -> memref<1x120x128xf32, #tpu.memory_space<vmem>>
        %dma_wait3A_180 = tpu.memref_squeeze %dma_wait3A_179 : memref<1x120x128xf32, #tpu.memory_space<vmem>> -> memref<120x128xf32, #tpu.memory_space<vmem>>
        %dma_wait3A_181 = arith.constant 0 : i32
        %dma_wait3A_182 = tpu.memref_slice %arg4[%multiple_of3A_139, %dma_wait3A_181] : memref<480000x128xf32, #tpu.memory_space<hbm>> -> memref<120x128xf32, #tpu.memory_space<hbm>>
        %dma_wait3A_183 = arith.constant 0 : i32
        %dma_wait3A_184 = tpu.memref_slice %arg4[%multiple_of3A_139, %dma_wait3A_183] : memref<480000x128xf32, #tpu.memory_space<hbm>> -> memref<120x128xf32, #tpu.memory_space<hbm>>
        %dma_wait3A_185 = arith.constant 0 : i32
        %dma_wait3A_186 = arith.constant 0 : i32
        %dma_wait3A_187 = tpu.memref_slice %arg6[%cond3A_141, %dma_wait3A_185, %dma_wait3A_186] : memref<2x120x128xf32, #tpu.memory_space<vmem>> -> memref<1x120x128xf32, #tpu.memory_space<vmem>>
        %dma_wait3A_188 = tpu.memref_squeeze %dma_wait3A_187 : memref<1x120x128xf32, #tpu.memory_space<vmem>> -> memref<120x128xf32, #tpu.memory_space<vmem>>
        tpu.wait_dma2 semaphore(%arg10 : memref<!tpu.dma_semaphore, #tpu.memory_space<semaphore_mem>>) src(%dma_wait3A_188 : memref<120x128xf32, #tpu.memory_space<vmem>>) dst(%dma_wait3A_184 : memref<120x128xf32, #tpu.memory_space<hbm>>)
      } else {
      }
      %mul3A_144 = arith.constant 120 : i32
      %mul3A_145 = arith.muli %add3A_133, %mul3A_144 : i32
      %dma_start3A_146 = arith.constant 1 : i32
      %dma_start3A_147 = arith.constant 0 : i32
      %dma_start3A_148 = arith.constant 0 : i32
      %dma_start3A_149 = tpu.memref_slice %arg6[%dma_start3A_146, %dma_start3A_147, %dma_start3A_148] : memref<2x120x128xf32, #tpu.memory_space<vmem>> -> memref<1x120x128xf32, #tpu.memory_space<vmem>>
      %dma_start3A_150 = tpu.memref_squeeze %dma_start3A_149 : memref<1x120x128xf32, #tpu.memory_space<vmem>> -> memref<120x128xf32, #tpu.memory_space<vmem>>
      %dma_start3A_151 = tpu.memref_slice %arg5[%mul3A_145] : memref<15000xi32, #tpu.memory_space<vmem>> -> memref<120xi32, #tpu.memory_space<vmem>>
      %dma_start3A_152 = arith.constant 0 : i32
      %dma_start3A_153 = arith.constant 0 : i32
      %dma_start3A_154 = tpu.memref_slice %arg2[%dma_start3A_152, %dma_start3A_153] : memref<10000x128xf32, #tpu.memory_space<hbm>> -> memref<10000x128xf32, #tpu.memory_space<hbm>>
      tpu.enqueue_indirect_dma source(%dma_start3A_154 : memref<10000x128xf32, #tpu.memory_space<hbm>>) target(%dma_start3A_150 : memref<120x128xf32, #tpu.memory_space<vmem>>) offsets(%dma_start3A_151 : memref<120xi32, #tpu.memory_space<vmem>>) semaphore(%arg8 : memref<!tpu.dma_semaphore, #tpu.memory_space<semaphore_mem>>)
      %dma_wait3A_155 = arith.constant 1 : i32
      %dma_wait3A_156 = arith.constant 0 : i32
      %dma_wait3A_157 = arith.constant 0 : i32
      %dma_wait3A_158 = tpu.memref_slice %arg6[%dma_wait3A_155, %dma_wait3A_156, %dma_wait3A_157] : memref<2x120x128xf32, #tpu.memory_space<vmem>> -> memref<1x120x128xf32, #tpu.memory_space<vmem>>
      %dma_wait3A_159 = tpu.memref_squeeze %dma_wait3A_158 : memref<1x120x128xf32, #tpu.memory_space<vmem>> -> memref<120x128xf32, #tpu.memory_space<vmem>>
      %dma_wait3A_160 = tpu.memref_slice %arg5[%mul3A_145] : memref<15000xi32, #tpu.memory_space<vmem>> -> memref<120xi32, #tpu.memory_space<vmem>>
      %dma_wait3A_161 = arith.constant 0 : i32
      %dma_wait3A_162 = arith.constant 0 : i32
      %dma_wait3A_163 = tpu.memref_slice %arg2[%dma_wait3A_161, %dma_wait3A_162] : memref<10000x128xf32, #tpu.memory_space<hbm>> -> memref<10000x128xf32, #tpu.memory_space<hbm>>
      tpu.wait_indirect_dma semaphore(%arg8 : memref<!tpu.dma_semaphore, #tpu.memory_space<semaphore_mem>>) src(%dma_wait3A_163 : memref<10000x128xf32, #tpu.memory_space<hbm>>) dst(%dma_wait3A_159 : memref<120x128xf32, #tpu.memory_space<vmem>>)
      %dma_start3A_164 = arith.constant 1 : i32
      %dma_start3A_165 = arith.constant 0 : i32
      %dma_start3A_166 = arith.constant 0 : i32
      %dma_start3A_167 = tpu.memref_slice %arg6[%dma_start3A_164, %dma_start3A_165, %dma_start3A_166] : memref<2x120x128xf32, #tpu.memory_space<vmem>> -> memref<1x120x128xf32, #tpu.memory_space<vmem>>
      %dma_start3A_168 = tpu.memref_squeeze %dma_start3A_167 : memref<1x120x128xf32, #tpu.memory_space<vmem>> -> memref<120x128xf32, #tpu.memory_space<vmem>>
      %dma_start3A_169 = arith.constant 0 : i32
      %dma_start3A_170 = tpu.memref_slice %arg4[%multiple_of3A_139, %dma_start3A_169] : memref<480000x128xf32, #tpu.memory_space<hbm>> -> memref<120x128xf32, #tpu.memory_space<hbm>>
      %dma_start3A_171 = arith.constant 0 : i32
      %dma_start3A_172 = tpu.memref_slice %arg4[%multiple_of3A_139, %dma_start3A_171] : memref<480000x128xf32, #tpu.memory_space<hbm>> -> memref<120x128xf32, #tpu.memory_space<hbm>>
      %dma_start3A_173 = arith.constant 0 : i32
      %dma_start3A_174 = arith.constant 0 : i32
      %dma_start3A_175 = tpu.memref_slice %arg6[%dma_start3A_164, %dma_start3A_173, %dma_start3A_174] : memref<2x120x128xf32, #tpu.memory_space<vmem>> -> memref<1x120x128xf32, #tpu.memory_space<vmem>>
      %dma_start3A_176 = tpu.memref_squeeze %dma_start3A_175 : memref<1x120x128xf32, #tpu.memory_space<vmem>> -> memref<120x128xf32, #tpu.memory_space<vmem>>
      tpu.enqueue_dma source(%dma_start3A_176 : memref<120x128xf32, #tpu.memory_space<vmem>>) target(%dma_start3A_172 : memref<120x128xf32, #tpu.memory_space<hbm>>) target_semaphore(%arg10 : memref<!tpu.dma_semaphore, #tpu.memory_space<semaphore_mem>>)
    }
    %scan3A_7 = arith.constant 62 : i32
    %add3A_8 = arith.constant 14880 : i32
    %add3A_9 = arith.addi %mul3A_2, %add3A_8 : i32
    %multiple_of3A_10 = tpu.assume_multiple %add3A_9, 8 : i32
    %dma_wait3A = arith.constant 0 : i32
    %dma_wait3A_11 = arith.constant 0 : i32
    %dma_wait3A_12 = arith.constant 0 : i32
    %dma_wait3A_13 = tpu.memref_slice %arg6[%dma_wait3A, %dma_wait3A_11, %dma_wait3A_12] : memref<2x120x128xf32, #tpu.memory_space<vmem>> -> memref<1x120x128xf32, #tpu.memory_space<vmem>>
    %dma_wait3A_14 = tpu.memref_squeeze %dma_wait3A_13 : memref<1x120x128xf32, #tpu.memory_space<vmem>> -> memref<120x128xf32, #tpu.memory_space<vmem>>
    %dma_wait3A_15 = arith.constant 0 : i32
    %dma_wait3A_16 = tpu.memref_slice %arg4[%multiple_of3A_10, %dma_wait3A_15] : memref<480000x128xf32, #tpu.memory_space<hbm>> -> memref<120x128xf32, #tpu.memory_space<hbm>>
    %dma_wait3A_17 = arith.constant 0 : i32
    %dma_wait3A_18 = tpu.memref_slice %arg4[%multiple_of3A_10, %dma_wait3A_17] : memref<480000x128xf32, #tpu.memory_space<hbm>> -> memref<120x128xf32, #tpu.memory_space<hbm>>
    %dma_wait3A_19 = arith.constant 0 : i32
    %dma_wait3A_20 = arith.constant 0 : i32
    %dma_wait3A_21 = tpu.memref_slice %arg6[%dma_wait3A, %dma_wait3A_19, %dma_wait3A_20] : memref<2x120x128xf32, #tpu.memory_space<vmem>> -> memref<1x120x128xf32, #tpu.memory_space<vmem>>
    %dma_wait3A_22 = tpu.memref_squeeze %dma_wait3A_21 : memref<1x120x128xf32, #tpu.memory_space<vmem>> -> memref<120x128xf32, #tpu.memory_space<vmem>>
    tpu.wait_dma2 semaphore(%arg9 : memref<!tpu.dma_semaphore, #tpu.memory_space<semaphore_mem>>) src(%dma_wait3A_22 : memref<120x128xf32, #tpu.memory_space<vmem>>) dst(%dma_wait3A_18 : memref<120x128xf32, #tpu.memory_space<hbm>>)
    %dma_start3A = arith.constant 0 : i32
    %dma_start3A_23 = arith.constant 0 : i32
    %dma_start3A_24 = arith.constant 0 : i32
    %dma_start3A_25 = tpu.memref_slice %arg6[%dma_start3A, %dma_start3A_23, %dma_start3A_24] : memref<2x120x128xf32, #tpu.memory_space<vmem>> -> memref<1x120x128xf32, #tpu.memory_space<vmem>>
    %dma_start3A_26 = tpu.memref_squeeze %dma_start3A_25 : memref<1x120x128xf32, #tpu.memory_space<vmem>> -> memref<120x128xf32, #tpu.memory_space<vmem>>
    %dma_start3A_27 = arith.constant 14880 : i32
    %dma_start3A_28 = tpu.memref_slice %arg5[%dma_start3A_27] : memref<15000xi32, #tpu.memory_space<vmem>> -> memref<120xi32, #tpu.memory_space<vmem>>
    %dma_start3A_29 = arith.constant 0 : i32
    %dma_start3A_30 = arith.constant 0 : i32
    %dma_start3A_31 = tpu.memref_slice %arg2[%dma_start3A_29, %dma_start3A_30] : memref<10000x128xf32, #tpu.memory_space<hbm>> -> memref<10000x128xf32, #tpu.memory_space<hbm>>
    tpu.enqueue_indirect_dma source(%dma_start3A_31 : memref<10000x128xf32, #tpu.memory_space<hbm>>) target(%dma_start3A_26 : memref<120x128xf32, #tpu.memory_space<vmem>>) offsets(%dma_start3A_28 : memref<120xi32, #tpu.memory_space<vmem>>) semaphore(%arg7 : memref<!tpu.dma_semaphore, #tpu.memory_space<semaphore_mem>>)
    %dma_wait3A_32 = arith.constant 0 : i32
    %dma_wait3A_33 = arith.constant 0 : i32
    %dma_wait3A_34 = arith.constant 0 : i32
    %dma_wait3A_35 = tpu.memref_slice %arg6[%dma_wait3A_32, %dma_wait3A_33, %dma_wait3A_34] : memref<2x120x128xf32, #tpu.memory_space<vmem>> -> memref<1x120x128xf32, #tpu.memory_space<vmem>>
    %dma_wait3A_36 = tpu.memref_squeeze %dma_wait3A_35 : memref<1x120x128xf32, #tpu.memory_space<vmem>> -> memref<120x128xf32, #tpu.memory_space<vmem>>
    %dma_wait3A_37 = arith.constant 14880 : i32
    %dma_wait3A_38 = tpu.memref_slice %arg5[%dma_wait3A_37] : memref<15000xi32, #tpu.memory_space<vmem>> -> memref<120xi32, #tpu.memory_space<vmem>>
    %dma_wait3A_39 = arith.constant 0 : i32
    %dma_wait3A_40 = arith.constant 0 : i32
    %dma_wait3A_41 = tpu.memref_slice %arg2[%dma_wait3A_39, %dma_wait3A_40] : memref<10000x128xf32, #tpu.memory_space<hbm>> -> memref<10000x128xf32, #tpu.memory_space<hbm>>
    tpu.wait_indirect_dma semaphore(%arg7 : memref<!tpu.dma_semaphore, #tpu.memory_space<semaphore_mem>>) src(%dma_wait3A_41 : memref<10000x128xf32, #tpu.memory_space<hbm>>) dst(%dma_wait3A_36 : memref<120x128xf32, #tpu.memory_space<vmem>>)
    %dma_start3A_42 = arith.constant 0 : i32
    %dma_start3A_43 = arith.constant 0 : i32
    %dma_start3A_44 = arith.constant 0 : i32
    %dma_start3A_45 = tpu.memref_slice %arg6[%dma_start3A_42, %dma_start3A_43, %dma_start3A_44] : memref<2x120x128xf32, #tpu.memory_space<vmem>> -> memref<1x120x128xf32, #tpu.memory_space<vmem>>
    %dma_start3A_46 = tpu.memref_squeeze %dma_start3A_45 : memref<1x120x128xf32, #tpu.memory_space<vmem>> -> memref<120x128xf32, #tpu.memory_space<vmem>>
    %dma_start3A_47 = arith.constant 0 : i32
    %dma_start3A_48 = tpu.memref_slice %arg4[%multiple_of3A_10, %dma_start3A_47] : memref<480000x128xf32, #tpu.memory_space<hbm>> -> memref<120x128xf32, #tpu.memory_space<hbm>>
    %dma_start3A_49 = arith.constant 0 : i32
    %dma_start3A_50 = tpu.memref_slice %arg4[%multiple_of3A_10, %dma_start3A_49] : memref<480000x128xf32, #tpu.memory_space<hbm>> -> memref<120x128xf32, #tpu.memory_space<hbm>>
    %dma_start3A_51 = arith.constant 0 : i32
    %dma_start3A_52 = arith.constant 0 : i32
    %dma_start3A_53 = tpu.memref_slice %arg6[%dma_start3A_42, %dma_start3A_51, %dma_start3A_52] : memref<2x120x128xf32, #tpu.memory_space<vmem>> -> memref<1x120x128xf32, #tpu.memory_space<vmem>>
    %dma_start3A_54 = tpu.memref_squeeze %dma_start3A_53 : memref<1x120x128xf32, #tpu.memory_space<vmem>> -> memref<120x128xf32, #tpu.memory_space<vmem>>
    tpu.enqueue_dma source(%dma_start3A_54 : memref<120x128xf32, #tpu.memory_space<vmem>>) target(%dma_start3A_50 : memref<120x128xf32, #tpu.memory_space<hbm>>) target_semaphore(%arg9 : memref<!tpu.dma_semaphore, #tpu.memory_space<semaphore_mem>>)
    %add3A_55 = arith.constant 14880 : i32
    %add3A_56 = arith.addi %mul3A_2, %add3A_55 : i32
    %multiple_of3A_57 = tpu.assume_multiple %add3A_56, 8 : i32
    %add3A_58 = arith.constant 14760 : i32
    %add3A_59 = arith.addi %mul3A_2, %add3A_58 : i32
    %multiple_of3A_60 = tpu.assume_multiple %add3A_59, 8 : i32
    %dma_wait3A_61 = arith.constant 0 : i32
    %dma_wait3A_62 = arith.constant 0 : i32
    %dma_wait3A_63 = arith.constant 0 : i32
    %dma_wait3A_64 = tpu.memref_slice %arg6[%dma_wait3A_61, %dma_wait3A_62, %dma_wait3A_63] : memref<2x120x128xf32, #tpu.memory_space<vmem>> -> memref<1x120x128xf32, #tpu.memory_space<vmem>>
    %dma_wait3A_65 = tpu.memref_squeeze %dma_wait3A_64 : memref<1x120x128xf32, #tpu.memory_space<vmem>> -> memref<120x128xf32, #tpu.memory_space<vmem>>
    %dma_wait3A_66 = arith.constant 0 : i32
    %dma_wait3A_67 = tpu.memref_slice %arg4[%multiple_of3A_57, %dma_wait3A_66] : memref<480000x128xf32, #tpu.memory_space<hbm>> -> memref<120x128xf32, #tpu.memory_space<hbm>>
    %dma_wait3A_68 = arith.constant 0 : i32
    %dma_wait3A_69 = tpu.memref_slice %arg4[%multiple_of3A_57, %dma_wait3A_68] : memref<480000x128xf32, #tpu.memory_space<hbm>> -> memref<120x128xf32, #tpu.memory_space<hbm>>
    %dma_wait3A_70 = arith.constant 0 : i32
    %dma_wait3A_71 = arith.constant 0 : i32
    %dma_wait3A_72 = tpu.memref_slice %arg6[%dma_wait3A_61, %dma_wait3A_70, %dma_wait3A_71] : memref<2x120x128xf32, #tpu.memory_space<vmem>> -> memref<1x120x128xf32, #tpu.memory_space<vmem>>
    %dma_wait3A_73 = tpu.memref_squeeze %dma_wait3A_72 : memref<1x120x128xf32, #tpu.memory_space<vmem>> -> memref<120x128xf32, #tpu.memory_space<vmem>>
    tpu.wait_dma2 semaphore(%arg9 : memref<!tpu.dma_semaphore, #tpu.memory_space<semaphore_mem>>) src(%dma_wait3A_73 : memref<120x128xf32, #tpu.memory_space<vmem>>) dst(%dma_wait3A_69 : memref<120x128xf32, #tpu.memory_space<hbm>>)
    %dma_wait3A_74 = arith.constant 1 : i32
    %dma_wait3A_75 = arith.constant 0 : i32
    %dma_wait3A_76 = arith.constant 0 : i32
    %dma_wait3A_77 = tpu.memref_slice %arg6[%dma_wait3A_74, %dma_wait3A_75, %dma_wait3A_76] : memref<2x120x128xf32, #tpu.memory_space<vmem>> -> memref<1x120x128xf32, #tpu.memory_space<vmem>>
    %dma_wait3A_78 = tpu.memref_squeeze %dma_wait3A_77 : memref<1x120x128xf32, #tpu.memory_space<vmem>> -> memref<120x128xf32, #tpu.memory_space<vmem>>
    %dma_wait3A_79 = arith.constant 0 : i32
    %dma_wait3A_80 = tpu.memref_slice %arg4[%multiple_of3A_60, %dma_wait3A_79] : memref<480000x128xf32, #tpu.memory_space<hbm>> -> memref<120x128xf32, #tpu.memory_space<hbm>>
    %dma_wait3A_81 = arith.constant 0 : i32
    %dma_wait3A_82 = tpu.memref_slice %arg4[%multiple_of3A_60, %dma_wait3A_81] : memref<480000x128xf32, #tpu.memory_space<hbm>> -> memref<120x128xf32, #tpu.memory_space<hbm>>
    %dma_wait3A_83 = arith.constant 0 : i32
    %dma_wait3A_84 = arith.constant 0 : i32
    %dma_wait3A_85 = tpu.memref_slice %arg6[%dma_wait3A_74, %dma_wait3A_83, %dma_wait3A_84] : memref<2x120x128xf32, #tpu.memory_space<vmem>> -> memref<1x120x128xf32, #tpu.memory_space<vmem>>
    %dma_wait3A_86 = tpu.memref_squeeze %dma_wait3A_85 : memref<1x120x128xf32, #tpu.memory_space<vmem>> -> memref<120x128xf32, #tpu.memory_space<vmem>>
    tpu.wait_dma2 semaphore(%arg10 : memref<!tpu.dma_semaphore, #tpu.memory_space<semaphore_mem>>) src(%dma_wait3A_86 : memref<120x128xf32, #tpu.memory_space<vmem>>) dst(%dma_wait3A_82 : memref<120x128xf32, #tpu.memory_space<hbm>>)
    return
  }
}

module attributes {stable_mosaic.version = 14 : i64} {
  func.func @_tc_body(%arg0: i32, %arg1: memref<3200x128xf32, #tpu.memory_space<vmem>>, %arg2: memref<3200x128xf32, #tpu.memory_space<vmem>>, %arg3: memref<3200x128xf32, #tpu.memory_space<vmem>>, %arg4: memref<3200x1xf32, #tpu.memory_space<vmem>>, %arg5: memref<3200x1xf32, #tpu.memory_space<vmem>>, %arg6: memref<3200x1xf32, #tpu.memory_space<vmem>>, %arg7: memref<200x128xbf16, #tpu.memory_space<vmem>>, %arg8: memref<128x256xbf16, #tpu.memory_space<vmem>>, %arg9: memref<1x256xf32, #tpu.memory_space<vmem>>, %arg10: memref<1x256xf32, #tpu.memory_space<vmem>>, %arg11: memref<128x128xbf16, #tpu.memory_space<vmem>>, %arg12: memref<1x128xf32, #tpu.memory_space<vmem>>, %arg13: memref<256x128xbf16, #tpu.memory_space<vmem>>, %arg14: memref<1x128xf32, #tpu.memory_space<vmem>>, %arg15: memref<256x128xbf16, #tpu.memory_space<vmem>>, %arg16: memref<1x128xf32, #tpu.memory_space<vmem>>, %arg17: memref<128x512xbf16, #tpu.memory_space<vmem>>, %arg18: memref<128x512xbf16, #tpu.memory_space<vmem>>, %arg19: memref<1x512xf32, #tpu.memory_space<vmem>>, %arg20: memref<1x512xf32, #tpu.memory_space<vmem>>, %arg21: memref<512x128xbf16, #tpu.memory_space<vmem>>, %arg22: memref<1x128xf32, #tpu.memory_space<vmem>>, %arg23: memref<128x512xbf16, #tpu.memory_space<vmem>>, %arg24: memref<128x512xbf16, #tpu.memory_space<vmem>>, %arg25: memref<1x512xf32, #tpu.memory_space<vmem>>, %arg26: memref<512x128xbf16, #tpu.memory_space<vmem>>, %arg27: memref<1x128xf32, #tpu.memory_space<vmem>>, %arg28: memref<200x128xf32, #tpu.memory_space<vmem>>) attributes {dimension_semantics = [#tpu.dimension_semantics<arbitrary>], iteration_bounds = array<i64: 50>, scalar_prefetch = 0 : i64, scratch_operands = 0 : i64, tpu.core_type = #tpu.core_type<tc>, window_params = [{transform_indices = @transform_0, window_bounds = array<i64: 3200, 128>}, {transform_indices = @transform_1, window_bounds = array<i64: 3200, 128>}, {transform_indices = @transform_2, window_bounds = array<i64: 3200, 128>}, {transform_indices = @transform_3, window_bounds = array<i64: 3200, 1>}, {transform_indices = @transform_4, window_bounds = array<i64: 3200, 1>}, {transform_indices = @transform_5, window_bounds = array<i64: 3200, 1>}, {transform_indices = @transform_6, window_bounds = array<i64: 200, 128>}, {pipeline_mode = #tpu.pipeline_mode<synchronous>, transform_indices = @transform_7, window_bounds = array<i64: 128, 256>}, {pipeline_mode = #tpu.pipeline_mode<synchronous>, transform_indices = @transform_8, window_bounds = array<i64: 1, 256>}, {pipeline_mode = #tpu.pipeline_mode<synchronous>, transform_indices = @transform_9, window_bounds = array<i64: 1, 256>}, {pipeline_mode = #tpu.pipeline_mode<synchronous>, transform_indices = @transform_10, window_bounds = array<i64: 128, 128>}, {pipeline_mode = #tpu.pipeline_mode<synchronous>, transform_indices = @transform_11, window_bounds = array<i64: 1, 128>}, {pipeline_mode = #tpu.pipeline_mode<synchronous>, transform_indices = @transform_12, window_bounds = array<i64: 256, 128>}, {pipeline_mode = #tpu.pipeline_mode<synchronous>, transform_indices = @transform_13, window_bounds = array<i64: 1, 128>}, {pipeline_mode = #tpu.pipeline_mode<synchronous>, transform_indices = @transform_14, window_bounds = array<i64: 256, 128>}, {pipeline_mode = #tpu.pipeline_mode<synchronous>, transform_indices = @transform_15, window_bounds = array<i64: 1, 128>}, {pipeline_mode = #tpu.pipeline_mode<synchronous>, transform_indices = @transform_16, window_bounds = array<i64: 128, 512>}, {pipeline_mode = #tpu.pipeline_mode<synchronous>, transform_indices = @transform_17, window_bounds = array<i64: 128, 512>}, {pipeline_mode = #tpu.pipeline_mode<synchronous>, transform_indices = @transform_18, window_bounds = array<i64: 1, 512>}, {pipeline_mode = #tpu.pipeline_mode<synchronous>, transform_indices = @transform_19, window_bounds = array<i64: 1, 512>}, {pipeline_mode = #tpu.pipeline_mode<synchronous>, transform_indices = @transform_20, window_bounds = array<i64: 512, 128>}, {pipeline_mode = #tpu.pipeline_mode<synchronous>, transform_indices = @transform_21, window_bounds = array<i64: 1, 128>}, {pipeline_mode = #tpu.pipeline_mode<synchronous>, transform_indices = @transform_22, window_bounds = array<i64: 128, 512>}, {pipeline_mode = #tpu.pipeline_mode<synchronous>, transform_indices = @transform_23, window_bounds = array<i64: 128, 512>}, {pipeline_mode = #tpu.pipeline_mode<synchronous>, transform_indices = @transform_24, window_bounds = array<i64: 1, 512>}, {pipeline_mode = #tpu.pipeline_mode<synchronous>, transform_indices = @transform_25, window_bounds = array<i64: 512, 128>}, {pipeline_mode = #tpu.pipeline_mode<synchronous>, transform_indices = @transform_26, window_bounds = array<i64: 1, 128>}, {transform_indices = @transform_27, window_bounds = array<i64: 200, 128>}]} {
    %get3A = arith.constant 0 : index
    %get3A_0 = arith.constant 0 : index
    %get3A_1 = vector.load %arg1[%get3A, %get3A_0] : memref<3200x128xf32, #tpu.memory_space<vmem>>, vector<3200x128xf32>
    %convert_element_type3A = arith.truncf %get3A_1 : vector<3200x128xf32> to vector<3200x128xbf16>
    %get3A_2 = arith.constant 0 : index
    %get3A_3 = arith.constant 0 : index
    %get3A_4 = vector.load %arg2[%get3A_2, %get3A_3] : memref<3200x128xf32, #tpu.memory_space<vmem>>, vector<3200x128xf32>
    %convert_element_type3A_5 = arith.truncf %get3A_4 : vector<3200x128xf32> to vector<3200x128xbf16>
    %get3A_6 = arith.constant 0 : index
    %get3A_7 = arith.constant 0 : index
    %get3A_8 = vector.load %arg3[%get3A_6, %get3A_7] : memref<3200x128xf32, #tpu.memory_space<vmem>>, vector<3200x128xf32>
    %convert_element_type3A_9 = arith.truncf %get3A_8 : vector<3200x128xf32> to vector<3200x128xbf16>
    %get3A_10 = arith.constant 0 : index
    %get3A_11 = arith.constant 0 : index
    %get3A_12 = vector.load %arg8[%get3A_10, %get3A_11] : memref<128x256xbf16, #tpu.memory_space<vmem>>, vector<128x256xbf16>
    %dot_general3A = arith.constant dense<0.000000e+00> : vector<3200x256xf32>
    %dot_general3A_13 = tpu.matmul %convert_element_type3A_5, %get3A_12, %dot_general3A {dimension_numbers = #tpu.dot_dimension_numbers<[1], [0], [0], [1], [0, 0, 1, 1], [], []>, transpose_lhs_hint = false} : vector<3200x128xbf16>, vector<128x256xbf16>, vector<3200x256xf32> -> vector<3200x256xf32>
    %get3A_14 = arith.constant 0 : index
    %get3A_15 = arith.constant 0 : index
    %get3A_16 = vector.load %arg4[%get3A_14, %get3A_15] : memref<3200x1xf32, #tpu.memory_space<vmem>>, vector<3200x1xf32>
    %get3A_17 = arith.constant 0 : index
    %get3A_18 = arith.constant 0 : index
    %get3A_19 = vector.load %arg9[%get3A_17, %get3A_18] : memref<1x256xf32, #tpu.memory_space<vmem>>, vector<1x256xf32>
    %mul3A = vector.broadcast %get3A_16 : vector<3200x1xf32> to vector<3200x256xf32>
    %mul3A_20 = vector.broadcast %get3A_19 : vector<1x256xf32> to vector<3200x256xf32>
    %mul3A_21 = arith.mulf %mul3A, %mul3A_20 : vector<3200x256xf32>
    %add3A = arith.addf %dot_general3A_13, %mul3A_21 : vector<3200x256xf32>
    %get3A_22 = arith.constant 0 : index
    %get3A_23 = arith.constant 0 : index
    %get3A_24 = vector.load %arg10[%get3A_22, %get3A_23] : memref<1x256xf32, #tpu.memory_space<vmem>>, vector<1x256xf32>
    %add3A_25 = vector.broadcast %get3A_24 : vector<1x256xf32> to vector<3200x256xf32>
    %add3A_26 = arith.addf %add3A, %add3A_25 : vector<3200x256xf32>
    %max3A = arith.constant 0.000000e+00 : f32
    %max3A_27 = vector.broadcast %max3A : f32 to vector<3200x256xf32>
    %max3A_28 = arith.maximumf %add3A_26, %max3A_27 : vector<3200x256xf32>
    %get3A_29 = arith.constant 0 : index
    %get3A_30 = arith.constant 0 : index
    %get3A_31 = vector.load %arg8[%get3A_29, %get3A_30] : memref<128x256xbf16, #tpu.memory_space<vmem>>, vector<128x256xbf16>
    %dot_general3A_32 = arith.constant dense<0.000000e+00> : vector<3200x256xf32>
    %dot_general3A_33 = tpu.matmul %convert_element_type3A_9, %get3A_31, %dot_general3A_32 {dimension_numbers = #tpu.dot_dimension_numbers<[1], [0], [0], [1], [0, 0, 1, 1], [], []>, transpose_lhs_hint = false} : vector<3200x128xbf16>, vector<128x256xbf16>, vector<3200x256xf32> -> vector<3200x256xf32>
    %get3A_34 = arith.constant 0 : index
    %get3A_35 = arith.constant 0 : index
    %get3A_36 = vector.load %arg5[%get3A_34, %get3A_35] : memref<3200x1xf32, #tpu.memory_space<vmem>>, vector<3200x1xf32>
    %get3A_37 = arith.constant 0 : index
    %get3A_38 = arith.constant 0 : index
    %get3A_39 = vector.load %arg9[%get3A_37, %get3A_38] : memref<1x256xf32, #tpu.memory_space<vmem>>, vector<1x256xf32>
    %mul3A_40 = vector.broadcast %get3A_36 : vector<3200x1xf32> to vector<3200x256xf32>
    %mul3A_41 = vector.broadcast %get3A_39 : vector<1x256xf32> to vector<3200x256xf32>
    %mul3A_42 = arith.mulf %mul3A_40, %mul3A_41 : vector<3200x256xf32>
    %add3A_43 = arith.addf %dot_general3A_33, %mul3A_42 : vector<3200x256xf32>
    %get3A_44 = arith.constant 0 : index
    %get3A_45 = arith.constant 0 : index
    %get3A_46 = vector.load %arg10[%get3A_44, %get3A_45] : memref<1x256xf32, #tpu.memory_space<vmem>>, vector<1x256xf32>
    %add3A_47 = vector.broadcast %get3A_46 : vector<1x256xf32> to vector<3200x256xf32>
    %add3A_48 = arith.addf %add3A_43, %add3A_47 : vector<3200x256xf32>
    %max3A_49 = arith.constant 0.000000e+00 : f32
    %max3A_50 = vector.broadcast %max3A_49 : f32 to vector<3200x256xf32>
    %max3A_51 = arith.maximumf %add3A_48, %max3A_50 : vector<3200x256xf32>
    %convert_element_type3A_52 = arith.truncf %max3A_28 : vector<3200x256xf32> to vector<3200x256xbf16>
    %convert_element_type3A_53 = arith.truncf %max3A_51 : vector<3200x256xf32> to vector<3200x256xbf16>
    %get3A_54 = arith.constant 0 : index
    %get3A_55 = arith.constant 0 : index
    %get3A_56 = vector.load %arg11[%get3A_54, %get3A_55] : memref<128x128xbf16, #tpu.memory_space<vmem>>, vector<128x128xbf16>
    %dot_general3A_57 = arith.constant dense<0.000000e+00> : vector<3200x128xf32>
    %dot_general3A_58 = tpu.matmul %convert_element_type3A, %get3A_56, %dot_general3A_57 {dimension_numbers = #tpu.dot_dimension_numbers<[1], [0], [0], [1], [0, 0, 1, 1], [], []>, transpose_lhs_hint = false} : vector<3200x128xbf16>, vector<128x128xbf16>, vector<3200x128xf32> -> vector<3200x128xf32>
    %get3A_59 = arith.constant 0 : index
    %get3A_60 = arith.constant 0 : index
    %get3A_61 = vector.load %arg12[%get3A_59, %get3A_60] : memref<1x128xf32, #tpu.memory_space<vmem>>, vector<1x128xf32>
    %add3A_62 = vector.broadcast %get3A_61 : vector<1x128xf32> to vector<3200x128xf32>
    %add3A_63 = arith.addf %dot_general3A_58, %add3A_62 : vector<3200x128xf32>
    %get3A_64 = arith.constant 0 : index
    %get3A_65 = arith.constant 0 : index
    %get3A_66 = vector.load %arg13[%get3A_64, %get3A_65] : memref<256x128xbf16, #tpu.memory_space<vmem>>, vector<256x128xbf16>
    %dot_general3A_67 = arith.constant dense<0.000000e+00> : vector<3200x128xf32>
    %dot_general3A_68 = tpu.matmul %convert_element_type3A_52, %get3A_66, %dot_general3A_67 {dimension_numbers = #tpu.dot_dimension_numbers<[1], [0], [0], [1], [0, 0, 1, 1], [], []>, transpose_lhs_hint = false} : vector<3200x256xbf16>, vector<256x128xbf16>, vector<3200x128xf32> -> vector<3200x128xf32>
    %get3A_69 = arith.constant 0 : index
    %get3A_70 = arith.constant 0 : index
    %get3A_71 = vector.load %arg14[%get3A_69, %get3A_70] : memref<1x128xf32, #tpu.memory_space<vmem>>, vector<1x128xf32>
    %add3A_72 = vector.broadcast %get3A_71 : vector<1x128xf32> to vector<3200x128xf32>
    %add3A_73 = arith.addf %dot_general3A_68, %add3A_72 : vector<3200x128xf32>
    %get3A_74 = arith.constant 0 : index
    %get3A_75 = arith.constant 0 : index
    %get3A_76 = vector.load %arg13[%get3A_74, %get3A_75] : memref<256x128xbf16, #tpu.memory_space<vmem>>, vector<256x128xbf16>
    %dot_general3A_77 = arith.constant dense<0.000000e+00> : vector<3200x128xf32>
    %dot_general3A_78 = tpu.matmul %convert_element_type3A_53, %get3A_76, %dot_general3A_77 {dimension_numbers = #tpu.dot_dimension_numbers<[1], [0], [0], [1], [0, 0, 1, 1], [], []>, transpose_lhs_hint = false} : vector<3200x256xbf16>, vector<256x128xbf16>, vector<3200x128xf32> -> vector<3200x128xf32>
    %get3A_79 = arith.constant 0 : index
    %get3A_80 = arith.constant 0 : index
    %get3A_81 = vector.load %arg14[%get3A_79, %get3A_80] : memref<1x128xf32, #tpu.memory_space<vmem>>, vector<1x128xf32>
    %add3A_82 = vector.broadcast %get3A_81 : vector<1x128xf32> to vector<3200x128xf32>
    %add3A_83 = arith.addf %dot_general3A_78, %add3A_82 : vector<3200x128xf32>
    %mul3A_84 = arith.mulf %add3A_63, %add3A_73 : vector<3200x128xf32>
    %reduce_sum3A = arith.constant dense<0.000000e+00> : vector<3200xf32>
    %reduce_sum3A_85 = vector.multi_reduction <add>, %mul3A_84, %reduce_sum3A [1] : vector<3200x128xf32> to vector<3200xf32>
    %broadcast_in_dim3A = vector.shape_cast %reduce_sum3A_85 : vector<3200xf32> to vector<3200x1xf32>
    %mul3A_86 = arith.constant 0.0883883461 : f32
    %mul3A_87 = vector.broadcast %mul3A_86 : f32 to vector<3200x1xf32>
    %mul3A_88 = arith.mulf %broadcast_in_dim3A, %mul3A_87 : vector<3200x1xf32>
    %logistic3A = arith.negf %mul3A_88 : vector<3200x1xf32>
    %logistic3A_89 = math.exp %logistic3A : vector<3200x1xf32>
    %logistic3A_90 = arith.constant 1.000000e+00 : f32
    %logistic3A_91 = vector.broadcast %logistic3A_90 : f32 to vector<3200x1xf32>
    %logistic3A_92 = arith.addf %logistic3A_91, %logistic3A_89 : vector<3200x1xf32>
    %logistic3A_93 = arith.divf %logistic3A_91, %logistic3A_92 : vector<3200x1xf32>
    %mul3A_94 = arith.mulf %add3A_63, %add3A_83 : vector<3200x128xf32>
    %reduce_sum3A_95 = arith.constant dense<0.000000e+00> : vector<3200xf32>
    %reduce_sum3A_96 = vector.multi_reduction <add>, %mul3A_94, %reduce_sum3A_95 [1] : vector<3200x128xf32> to vector<3200xf32>
    %broadcast_in_dim3A_97 = vector.shape_cast %reduce_sum3A_96 : vector<3200xf32> to vector<3200x1xf32>
    %mul3A_98 = arith.constant 0.0883883461 : f32
    %mul3A_99 = vector.broadcast %mul3A_98 : f32 to vector<3200x1xf32>
    %mul3A_100 = arith.mulf %broadcast_in_dim3A_97, %mul3A_99 : vector<3200x1xf32>
    %logistic3A_101 = arith.negf %mul3A_100 : vector<3200x1xf32>
    %logistic3A_102 = math.exp %logistic3A_101 : vector<3200x1xf32>
    %logistic3A_103 = arith.constant 1.000000e+00 : f32
    %logistic3A_104 = vector.broadcast %logistic3A_103 : f32 to vector<3200x1xf32>
    %logistic3A_105 = arith.addf %logistic3A_104, %logistic3A_102 : vector<3200x1xf32>
    %logistic3A_106 = arith.divf %logistic3A_104, %logistic3A_105 : vector<3200x1xf32>
    %convert_element_type3A_107 = arith.truncf %logistic3A_93 : vector<3200x1xf32> to vector<3200x1xbf16>
    %mul3A_108 = vector.broadcast %convert_element_type3A_107 : vector<3200x1xbf16> to vector<3200x256xbf16>
    %mul3A_109 = arith.mulf %mul3A_108, %convert_element_type3A_52 : vector<3200x256xbf16>
    %convert_element_type3A_110 = arith.truncf %logistic3A_106 : vector<3200x1xf32> to vector<3200x1xbf16>
    %mul3A_111 = vector.broadcast %convert_element_type3A_110 : vector<3200x1xbf16> to vector<3200x256xbf16>
    %mul3A_112 = arith.mulf %mul3A_111, %convert_element_type3A_53 : vector<3200x256xbf16>
    %add3A_113 = arith.addf %mul3A_109, %mul3A_112 : vector<3200x256xbf16>
    %get3A_114 = arith.constant 0 : index
    %get3A_115 = arith.constant 0 : index
    %get3A_116 = vector.load %arg15[%get3A_114, %get3A_115] : memref<256x128xbf16, #tpu.memory_space<vmem>>, vector<256x128xbf16>
    %dot_general3A_117 = arith.constant dense<0.000000e+00> : vector<3200x128xf32>
    %dot_general3A_118 = tpu.matmul %add3A_113, %get3A_116, %dot_general3A_117 {dimension_numbers = #tpu.dot_dimension_numbers<[1], [0], [0], [1], [0, 0, 1, 1], [], []>, transpose_lhs_hint = false} : vector<3200x256xbf16>, vector<256x128xbf16>, vector<3200x128xf32> -> vector<3200x128xf32>
    %add3A_119 = arith.addf %logistic3A_93, %logistic3A_106 : vector<3200x1xf32>
    %get3A_120 = arith.constant 0 : index
    %get3A_121 = arith.constant 0 : index
    %get3A_122 = vector.load %arg16[%get3A_120, %get3A_121] : memref<1x128xf32, #tpu.memory_space<vmem>>, vector<1x128xf32>
    %mul3A_123 = vector.broadcast %add3A_119 : vector<3200x1xf32> to vector<3200x128xf32>
    %mul3A_124 = vector.broadcast %get3A_122 : vector<1x128xf32> to vector<3200x128xf32>
    %mul3A_125 = arith.mulf %mul3A_123, %mul3A_124 : vector<3200x128xf32>
    %add3A_126 = arith.addf %dot_general3A_118, %mul3A_125 : vector<3200x128xf32>
    %mul3A_127 = arith.constant 5.000000e-01 : f32
    %mul3A_128 = vector.broadcast %mul3A_127 : f32 to vector<3200x128xf32>
    %mul3A_129 = arith.mulf %add3A_126, %mul3A_128 : vector<3200x128xf32>
    %convert_element_type3A_130 = arith.truncf %mul3A_129 : vector<3200x128xf32> to vector<3200x128xbf16>
    %get3A_131 = arith.constant 0 : index
    %get3A_132 = arith.constant 0 : index
    %get3A_133 = vector.load %arg17[%get3A_131, %get3A_132] : memref<128x512xbf16, #tpu.memory_space<vmem>>, vector<128x512xbf16>
    %dot_general3A_134 = arith.constant dense<0.000000e+00> : vector<3200x512xf32>
    %dot_general3A_135 = tpu.matmul %convert_element_type3A_130, %get3A_133, %dot_general3A_134 {dimension_numbers = #tpu.dot_dimension_numbers<[1], [0], [0], [1], [0, 0, 1, 1], [], []>, transpose_lhs_hint = false} : vector<3200x128xbf16>, vector<128x512xbf16>, vector<3200x512xf32> -> vector<3200x512xf32>
    %get3A_136 = arith.constant 0 : index
    %get3A_137 = arith.constant 0 : index
    %get3A_138 = vector.load %arg18[%get3A_136, %get3A_137] : memref<128x512xbf16, #tpu.memory_space<vmem>>, vector<128x512xbf16>
    %dot_general3A_139 = arith.constant dense<0.000000e+00> : vector<3200x512xf32>
    %dot_general3A_140 = tpu.matmul %convert_element_type3A, %get3A_138, %dot_general3A_139 {dimension_numbers = #tpu.dot_dimension_numbers<[1], [0], [0], [1], [0, 0, 1, 1], [], []>, transpose_lhs_hint = false} : vector<3200x128xbf16>, vector<128x512xbf16>, vector<3200x512xf32> -> vector<3200x512xf32>
    %add3A_141 = arith.addf %dot_general3A_135, %dot_general3A_140 : vector<3200x512xf32>
    %get3A_142 = arith.constant 0 : index
    %get3A_143 = arith.constant 0 : index
    %get3A_144 = vector.load %arg6[%get3A_142, %get3A_143] : memref<3200x1xf32, #tpu.memory_space<vmem>>, vector<3200x1xf32>
    %get3A_145 = arith.constant 0 : index
    %get3A_146 = arith.constant 0 : index
    %get3A_147 = vector.load %arg19[%get3A_145, %get3A_146] : memref<1x512xf32, #tpu.memory_space<vmem>>, vector<1x512xf32>
    %mul3A_148 = vector.broadcast %get3A_144 : vector<3200x1xf32> to vector<3200x512xf32>
    %mul3A_149 = vector.broadcast %get3A_147 : vector<1x512xf32> to vector<3200x512xf32>
    %mul3A_150 = arith.mulf %mul3A_148, %mul3A_149 : vector<3200x512xf32>
    %add3A_151 = arith.addf %add3A_141, %mul3A_150 : vector<3200x512xf32>
    %get3A_152 = arith.constant 0 : index
    %get3A_153 = arith.constant 0 : index
    %get3A_154 = vector.load %arg20[%get3A_152, %get3A_153] : memref<1x512xf32, #tpu.memory_space<vmem>>, vector<1x512xf32>
    %add3A_155 = vector.broadcast %get3A_154 : vector<1x512xf32> to vector<3200x512xf32>
    %add3A_156 = arith.addf %add3A_151, %add3A_155 : vector<3200x512xf32>
    %max3A_157 = arith.constant 0.000000e+00 : f32
    %max3A_158 = vector.broadcast %max3A_157 : f32 to vector<3200x512xf32>
    %max3A_159 = arith.maximumf %add3A_156, %max3A_158 : vector<3200x512xf32>
    %convert_element_type3A_160 = arith.truncf %max3A_159 : vector<3200x512xf32> to vector<3200x512xbf16>
    %get3A_161 = arith.constant 0 : index
    %get3A_162 = arith.constant 0 : index
    %get3A_163 = vector.load %arg21[%get3A_161, %get3A_162] : memref<512x128xbf16, #tpu.memory_space<vmem>>, vector<512x128xbf16>
    %dot_general3A_164 = arith.constant dense<0.000000e+00> : vector<3200x128xf32>
    %dot_general3A_165 = tpu.matmul %convert_element_type3A_160, %get3A_163, %dot_general3A_164 {dimension_numbers = #tpu.dot_dimension_numbers<[1], [0], [0], [1], [0, 0, 1, 1], [], []>, transpose_lhs_hint = false} : vector<3200x512xbf16>, vector<512x128xbf16>, vector<3200x128xf32> -> vector<3200x128xf32>
    %get3A_166 = arith.constant 0 : index
    %get3A_167 = arith.constant 0 : index
    %get3A_168 = vector.load %arg22[%get3A_166, %get3A_167] : memref<1x128xf32, #tpu.memory_space<vmem>>, vector<1x128xf32>
    %add3A_169 = vector.broadcast %get3A_168 : vector<1x128xf32> to vector<3200x128xf32>
    %add3A_170 = arith.addf %dot_general3A_165, %add3A_169 : vector<3200x128xf32>
    %reshape3A = vector.shape_cast %add3A_170 : vector<3200x128xf32> to vector<200x16x128xf32>
    %reduce_sum3A_171 = arith.constant dense<0.000000e+00> : vector<200x128xf32>
    %reduce_sum3A_172 = vector.multi_reduction <add>, %reshape3A, %reduce_sum3A_171 [1] : vector<200x16x128xf32> to vector<200x128xf32>
    %convert_element_type3A_173 = arith.truncf %reduce_sum3A_172 : vector<200x128xf32> to vector<200x128xbf16>
    %get3A_174 = arith.constant 0 : index
    %get3A_175 = arith.constant 0 : index
    %get3A_176 = vector.load %arg23[%get3A_174, %get3A_175] : memref<128x512xbf16, #tpu.memory_space<vmem>>, vector<128x512xbf16>
    %dot_general3A_177 = arith.constant dense<0.000000e+00> : vector<200x512xf32>
    %dot_general3A_178 = tpu.matmul %convert_element_type3A_173, %get3A_176, %dot_general3A_177 {dimension_numbers = #tpu.dot_dimension_numbers<[1], [0], [0], [1], [0, 0, 1, 1], [], []>, transpose_lhs_hint = false} : vector<200x128xbf16>, vector<128x512xbf16>, vector<200x512xf32> -> vector<200x512xf32>
    %get3A_179 = arith.constant 0 : index
    %get3A_180 = arith.constant 0 : index
    %get3A_181 = vector.load %arg7[%get3A_179, %get3A_180] : memref<200x128xbf16, #tpu.memory_space<vmem>>, vector<200x128xbf16>
    %get3A_182 = arith.constant 0 : index
    %get3A_183 = arith.constant 0 : index
    %get3A_184 = vector.load %arg24[%get3A_182, %get3A_183] : memref<128x512xbf16, #tpu.memory_space<vmem>>, vector<128x512xbf16>
    %dot_general3A_185 = arith.constant dense<0.000000e+00> : vector<200x512xf32>
    %dot_general3A_186 = tpu.matmul %get3A_181, %get3A_184, %dot_general3A_185 {dimension_numbers = #tpu.dot_dimension_numbers<[1], [0], [0], [1], [0, 0, 1, 1], [], []>, transpose_lhs_hint = false} : vector<200x128xbf16>, vector<128x512xbf16>, vector<200x512xf32> -> vector<200x512xf32>
    %add3A_187 = arith.addf %dot_general3A_178, %dot_general3A_186 : vector<200x512xf32>
    %get3A_188 = arith.constant 0 : index
    %get3A_189 = arith.constant 0 : index
    %get3A_190 = vector.load %arg25[%get3A_188, %get3A_189] : memref<1x512xf32, #tpu.memory_space<vmem>>, vector<1x512xf32>
    %add3A_191 = vector.broadcast %get3A_190 : vector<1x512xf32> to vector<200x512xf32>
    %add3A_192 = arith.addf %add3A_187, %add3A_191 : vector<200x512xf32>
    %max3A_193 = arith.constant 0.000000e+00 : f32
    %max3A_194 = vector.broadcast %max3A_193 : f32 to vector<200x512xf32>
    %max3A_195 = arith.maximumf %add3A_192, %max3A_194 : vector<200x512xf32>
    %convert_element_type3A_196 = arith.truncf %max3A_195 : vector<200x512xf32> to vector<200x512xbf16>
    %get3A_197 = arith.constant 0 : index
    %get3A_198 = arith.constant 0 : index
    %get3A_199 = vector.load %arg26[%get3A_197, %get3A_198] : memref<512x128xbf16, #tpu.memory_space<vmem>>, vector<512x128xbf16>
    %dot_general3A_200 = arith.constant dense<0.000000e+00> : vector<200x128xf32>
    %dot_general3A_201 = tpu.matmul %convert_element_type3A_196, %get3A_199, %dot_general3A_200 {dimension_numbers = #tpu.dot_dimension_numbers<[1], [0], [0], [1], [0, 0, 1, 1], [], []>, transpose_lhs_hint = false} : vector<200x512xbf16>, vector<512x128xbf16>, vector<200x128xf32> -> vector<200x128xf32>
    %get3A_202 = arith.constant 0 : index
    %get3A_203 = arith.constant 0 : index
    %get3A_204 = vector.load %arg27[%get3A_202, %get3A_203] : memref<1x128xf32, #tpu.memory_space<vmem>>, vector<1x128xf32>
    %add3A_205 = vector.broadcast %get3A_204 : vector<1x128xf32> to vector<200x128xf32>
    %add3A_206 = arith.addf %dot_general3A_201, %add3A_205 : vector<200x128xf32>
    %swap3A = arith.constant 0 : index
    %swap3A_207 = arith.constant 0 : index
    %swap3A_208 = vector.load %arg28[%swap3A, %swap3A_207] : memref<200x128xf32, #tpu.memory_space<vmem>>, vector<200x128xf32>
    tpu.vector_store %arg28[%swap3A, %swap3A_207], %add3A_206 {strides = array<i32>} : memref<200x128xf32, #tpu.memory_space<vmem>>, vector<200x128xf32>,
    return
  }
  func.func @transform_0(%arg0: i32) -> (i32, i32) {
    %c0_i32 = arith.constant 0 : i32
    %c0_i32_0 = arith.constant 0 : i32
    return %arg0, %c0_i32 : i32, i32
  }
  func.func @transform_1(%arg0: i32) -> (i32, i32) {
    %add3A = arith.constant 50 : i32
    %add3A_0 = arith.addi %arg0, %add3A : i32
    %c0_i32 = arith.constant 0 : i32
    %c0_i32_1 = arith.constant 0 : i32
    return %add3A_0, %c0_i32 : i32, i32
  }
  func.func @transform_2(%arg0: i32) -> (i32, i32) {
    %add3A = arith.constant 100 : i32
    %add3A_0 = arith.addi %arg0, %add3A : i32
    %c0_i32 = arith.constant 0 : i32
    %c0_i32_1 = arith.constant 0 : i32
    return %add3A_0, %c0_i32 : i32, i32
  }
  func.func @transform_3(%arg0: i32) -> (i32, i32) {
    %c0_i32 = arith.constant 0 : i32
    %c0_i32_0 = arith.constant 0 : i32
    return %arg0, %c0_i32 : i32, i32
  }
  func.func @transform_4(%arg0: i32) -> (i32, i32) {
    %c0_i32 = arith.constant 0 : i32
    %c0_i32_0 = arith.constant 0 : i32
    return %arg0, %c0_i32 : i32, i32
  }
  func.func @transform_5(%arg0: i32) -> (i32, i32) {
    %c0_i32 = arith.constant 0 : i32
    %c0_i32_0 = arith.constant 0 : i32
    return %arg0, %c0_i32 : i32, i32
  }
  func.func @transform_6(%arg0: i32) -> (i32, i32) {
    %c0_i32 = arith.constant 0 : i32
    %c0_i32_0 = arith.constant 0 : i32
    return %arg0, %c0_i32 : i32, i32
  }
  func.func @transform_7(%arg0: i32) -> (i32, i32) {
    %c0_i32 = arith.constant 0 : i32
    %c0_i32_0 = arith.constant 0 : i32
    %c0_i32_1 = arith.constant 0 : i32
    return %c0_i32, %c0_i32_0 : i32, i32
  }
  func.func @transform_8(%arg0: i32) -> (i32, i32) {
    %c0_i32 = arith.constant 0 : i32
    %c0_i32_0 = arith.constant 0 : i32
    %c0_i32_1 = arith.constant 0 : i32
    return %c0_i32, %c0_i32_0 : i32, i32
  }
  func.func @transform_9(%arg0: i32) -> (i32, i32) {
    %c0_i32 = arith.constant 0 : i32
    %c0_i32_0 = arith.constant 0 : i32
    %c0_i32_1 = arith.constant 0 : i32
    return %c0_i32, %c0_i32_0 : i32, i32
  }
  func.func @transform_10(%arg0: i32) -> (i32, i32) {
    %c0_i32 = arith.constant 0 : i32
    %c0_i32_0 = arith.constant 0 : i32
    %c0_i32_1 = arith.constant 0 : i32
    return %c0_i32, %c0_i32_0 : i32, i32
  }
  func.func @transform_11(%arg0: i32) -> (i32, i32) {
    %c0_i32 = arith.constant 0 : i32
    %c0_i32_0 = arith.constant 0 : i32
    %c0_i32_1 = arith.constant 0 : i32
    return %c0_i32, %c0_i32_0 : i32, i32
  }
  func.func @transform_12(%arg0: i32) -> (i32, i32) {
    %c0_i32 = arith.constant 0 : i32
    %c0_i32_0 = arith.constant 0 : i32
    %c0_i32_1 = arith.constant 0 : i32
    return %c0_i32, %c0_i32_0 : i32, i32
  }
  func.func @transform_13(%arg0: i32) -> (i32, i32) {
    %c0_i32 = arith.constant 0 : i32
    %c0_i32_0 = arith.constant 0 : i32
    %c0_i32_1 = arith.constant 0 : i32
    return %c0_i32, %c0_i32_0 : i32, i32
  }
  func.func @transform_14(%arg0: i32) -> (i32, i32) {
    %c0_i32 = arith.constant 0 : i32
    %c0_i32_0 = arith.constant 0 : i32
    %c0_i32_1 = arith.constant 0 : i32
    return %c0_i32, %c0_i32_0 : i32, i32
  }
  func.func @transform_15(%arg0: i32) -> (i32, i32) {
    %c0_i32 = arith.constant 0 : i32
    %c0_i32_0 = arith.constant 0 : i32
    %c0_i32_1 = arith.constant 0 : i32
    return %c0_i32, %c0_i32_0 : i32, i32
  }
  func.func @transform_16(%arg0: i32) -> (i32, i32) {
    %c0_i32 = arith.constant 0 : i32
    %c0_i32_0 = arith.constant 0 : i32
    %c0_i32_1 = arith.constant 0 : i32
    return %c0_i32, %c0_i32_0 : i32, i32
  }
  func.func @transform_17(%arg0: i32) -> (i32, i32) {
    %c0_i32 = arith.constant 0 : i32
    %c0_i32_0 = arith.constant 0 : i32
    %c0_i32_1 = arith.constant 0 : i32
    return %c0_i32, %c0_i32_0 : i32, i32
  }
  func.func @transform_18(%arg0: i32) -> (i32, i32) {
    %c0_i32 = arith.constant 0 : i32
    %c0_i32_0 = arith.constant 0 : i32
    %c0_i32_1 = arith.constant 0 : i32
    return %c0_i32, %c0_i32_0 : i32, i32
  }
  func.func @transform_19(%arg0: i32) -> (i32, i32) {
    %c0_i32 = arith.constant 0 : i32
    %c0_i32_0 = arith.constant 0 : i32
    %c0_i32_1 = arith.constant 0 : i32
    return %c0_i32, %c0_i32_0 : i32, i32
  }
  func.func @transform_20(%arg0: i32) -> (i32, i32) {
    %c0_i32 = arith.constant 0 : i32
    %c0_i32_0 = arith.constant 0 : i32
    %c0_i32_1 = arith.constant 0 : i32
    return %c0_i32, %c0_i32_0 : i32, i32
  }
  func.func @transform_21(%arg0: i32) -> (i32, i32) {
    %c0_i32 = arith.constant 0 : i32
    %c0_i32_0 = arith.constant 0 : i32
    %c0_i32_1 = arith.constant 0 : i32
    return %c0_i32, %c0_i32_0 : i32, i32
  }
  func.func @transform_22(%arg0: i32) -> (i32, i32) {
    %c0_i32 = arith.constant 0 : i32
    %c0_i32_0 = arith.constant 0 : i32
    %c0_i32_1 = arith.constant 0 : i32
    return %c0_i32, %c0_i32_0 : i32, i32
  }
  func.func @transform_23(%arg0: i32) -> (i32, i32) {
    %c0_i32 = arith.constant 0 : i32
    %c0_i32_0 = arith.constant 0 : i32
    %c0_i32_1 = arith.constant 0 : i32
    return %c0_i32, %c0_i32_0 : i32, i32
  }
  func.func @transform_24(%arg0: i32) -> (i32, i32) {
    %c0_i32 = arith.constant 0 : i32
    %c0_i32_0 = arith.constant 0 : i32
    %c0_i32_1 = arith.constant 0 : i32
    return %c0_i32, %c0_i32_0 : i32, i32
  }
  func.func @transform_25(%arg0: i32) -> (i32, i32) {
    %c0_i32 = arith.constant 0 : i32
    %c0_i32_0 = arith.constant 0 : i32
    %c0_i32_1 = arith.constant 0 : i32
    return %c0_i32, %c0_i32_0 : i32, i32
  }
  func.func @transform_26(%arg0: i32) -> (i32, i32) {
    %c0_i32 = arith.constant 0 : i32
    %c0_i32_0 = arith.constant 0 : i32
    %c0_i32_1 = arith.constant 0 : i32
    return %c0_i32, %c0_i32_0 : i32, i32
  }
  func.func @transform_27(%arg0: i32) -> (i32, i32) {
    %c0_i32 = arith.constant 0 : i32
    %c0_i32_0 = arith.constant 0 : i32
    return %arg0, %c0_i32 : i32, i32
  }
}

</mosaic_0001>

<sc_bundles>
// kernel: kernel.4.cloned.1.call-start
scs
__scs_entry_jumppad:
0x0: {  	(pc) =	sbr.rel $0x88, $3  }
0x1: {  	(tag) =	ssettag $0x0;
	lr =	simm.s32 $0x1  }
0x2: {  	[smem:$0x3F8A] =	sst lr;
	_ =	strace $0xD0000000  }
0x3: {  	_ = 	snop  }
0x4: {  	_ = 	snop  }
0x5: {  	_ = 	snop  }
0x6: {  	_ = 	snop  }
0x7: {  	_ = 	snop  }
__scs_overlays_trampoline_lowered:
0x8: {  	[smem:$0x3F99] =	sst s0  }
0x9: {  	[smem:$0x3F9A] =	sst s1  }
0xa: {  	[smem:$0x3F9B] =	sst s2  }
0xb: {  	[smem:$0x3F9C] =	sst s3  }
0xc: {  	[smem:$0x3F9D] =	sst s4  }
0xd: {  	[smem:$0x3F9E] =	sst s5  }
0xe: {  	[smem:$0x3F9F] =	sst s6  }
0xf: {  	[smem:$0x3FA0] =	sst s7  }
0x10: {  	[smem:$0x3FA1] =	sst s8  }
0x11: {  	[smem:$0x3FA2] =	sst s9;
	s0 =	simm.s32 @!p0 $0x0  }
0x12: {  	s1 =	sld [smem:$0x3F88];
	s0 =	simm.s32 @p0 $0x1  }
0x13: {  	[smem:$0x3FA3] =	sst s0;
	s0 =	simm.s32 @!p1 $0x0  }
0x14: {  	s2 =	sld [smem:$0x3F87];
	s0 =	simm.s32 @p1 $0x1  }
0x15: {  	[smem:$0x3FA4] =	sst s0;
	s0 =	simm.s32 @!p2 $0x0  }
0x16: {  	s3 =	sld [smem:$0x3FDB];
	s0 =	simm.s32 @p2 $0x1  }
0x17: {  	s4 =	simm.s32 $0x1BF5;
	[smem:$0x3FA6] =	sst s0  }
0x18: {  	s0 =	sld [smem:$0x3F89];
	_ =	swait.ge [sflag:s4], $0x0  }
0x19: {  	s7 =	sld [smem:$0x3F8A]  }
0x1a: {  	s8 =	sadd.s32 $0xFFFFE003, lr  }
0x1b: {  	s9 =	sadd.s32 $0xFFFFFEF7, lr;
	s5 =	simm.s32 $0xFFFFFFFF;
	p2 =	slt.u32 s8, $0xFFFFF086  }
0x1c: {  	p1 =	slt.u32 s9, $0xF7A;
	s5 =	simm.s32 @!p2 $0x0  }
0x1d: {  	s5 =	simm.s32 @p1 $0x1;
	p0 =	seq.s32 s7, s2  }
0x1e: {  	s7 =	smul.u32 @!p0 $0xF7A, s2;
	p2 =	seq.s32 @!p0 s5, $0x0  }
0x1f: {  	s9 =	smul.u32 $0xF7A, s1;
	s8 =	simm.s32 @!p0 $0x1BF5;
	p2 =	por !p2, p0  }
0x20: {  	[sflag:s8] =	ssyncset.s32 @!p0 $0xFFFFF086;
	s6 =	sadd.s32 @!p0 s3, s7;
	s7 =	simm.s32 @!p0 $0x108  }
0x21: {  	s3 =	sadd.s32 s3, s9;
	s6 =	sadd.s32 @!p0 $0x88, s6;
	s7 =	simm.s32 @p2 $0x1082  }
0x22: {  	[simem:s7], [sflag:s8] =	dma.local @!p0 [hbm:s6], $0xF7A  }
0x23: {  	s9 =	sor.u32 $0xD0000000, s2;
	s6 =	simm.s32 $0x108;
	_ =	swait.ge @!p0 [sflag:s8], $0x0  }
0x24: {  	s3 =	sadd.s32 $0x88, s3;
	s6 =	simm.s32 @!p1 $0x1082;
	[sflag:s4] =	ssyncset.s32 $0xFFFFF086  }
0x25: {  	[simem:s6], [sflag:s4] =	dma.local [hbm:s3], $0xF7A  }
0x26: {  	[smem:$0x3F8A] =	sst s1;
	(tag) =	ssettag s2;
	_ =	strace s9  }
0x27: {  	s1 =	sld [smem:$0x3F9A]  }
0x28: {  	s2 =	sld [smem:$0x3F9B]  }
0x29: {  	s4 =	sld [smem:$0x3F9D]  }
0x2a: {  	p0 =	seq.s32 s5, $0x0;
	s5 =	sld [smem:$0x3F9E]  }
0x2b: {  	s6 =	sld [smem:$0x3F9F]  }
0x2c: {  	s7 =	sld [smem:$0x3FA0]  }
0x2d: {  	s3 =	simm.s32 $0x108;
	s8 =	sld [smem:$0x3FA1]  }
0x2e: {  	s3 =	simm.s32 @!p0 $0x1082;
	s9 =	sld [smem:$0x3FA2]  }
0x2f: {  	lr =	sadd.s32 s0, s3;
	s0 =	sld [smem:$0x3F99]  }
0x30: {  	s3 =	sld [smem:$0x3F9C]  }
0x31: {  	[smem:$0x3FA5] =	sst s10  }
0x32: {  	s10 =	sld [smem:$0x3FA3];
	_ =	sdelay $0x3  }
0x33: {  	p0 =	seq.s32 s10, $0x1;
	s10 =	sld [smem:$0x3FA5];
	_ =	sdelay $0x3  }
0x34: {  	[smem:$0x3FA5] =	sst s10  }
0x35: {  	s10 =	sld [smem:$0x3FA4];
	_ =	sdelay $0x3  }
0x36: {  	p1 =	seq.s32 s10, $0x1;
	s10 =	sld [smem:$0x3FA5];
	_ =	sdelay $0x3  }
0x37: {  	[smem:$0x3FA5] =	sst s10  }
0x38: {  	s10 =	sld [smem:$0x3FA6]  }
0x39: {  	_ = 	snop;
	(pc) =	sbr.ind lr, $3  }
0x3a: {  	_ = 	snop  }
0x3b: {  	_ = 	snop  }
0x3c: {  	p2 =	seq.s32 s10, $0x1;
	s10 =	sld [smem:$0x3FA5]  }
0x3d: {  	_ =	shalt  }
0x3e: {  	_ =	shalt  }
0x3f: {  	_ =	shalt  }
0x40: {  	_ =	shalt  }
0x41: {  	_ =	shalt  }
0x42: {  	_ =	shalt  }
0x43: {  	_ =	shalt  }
0x44: {  	_ =	shalt  }
0x45: {  	_ =	shalt  }
0x46: {  	_ =	shalt  }
0x47: {  	_ =	shalt  }
0x48: {  	_ =	shalt  }
0x49: {  	_ =	shalt  }
0x4a: {  	_ =	shalt  }
0x4b: {  	_ =	shalt  }
0x4c: {  	_ =	shalt  }
0x4d: {  	_ =	shalt  }
0x4e: {  	_ =	shalt  }
0x4f: {  	_ =	shalt  }
0x50: {  	_ =	shalt  }
0x51: {  	_ =	shalt  }
0x52: {  	_ =	shalt  }
0x53: {  	_ =	shalt  }
0x54: {  	_ =	shalt  }
0x55: {  	_ =	shalt  }
0x56: {  	_ =	shalt  }
0x57: {  	_ =	shalt  }
0x58: {  	_ =	shalt  }
0x59: {  	_ =	shalt  }
0x5a: {  	_ =	shalt  }
0x5b: {  	_ =	shalt  }
0x5c: {  	_ =	shalt  }
0x5d: {  	_ =	shalt  }
0x5e: {  	_ =	shalt  }
0x5f: {  	_ =	shalt  }
0x60: {  	_ =	shalt  }
0x61: {  	_ =	shalt  }
0x62: {  	_ =	shalt  }
0x63: {  	_ =	shalt  }
0x64: {  	_ =	shalt  }
0x65: {  	_ =	shalt  }
0x66: {  	_ =	shalt  }
0x67: {  	_ =	shalt  }
0x68: {  	_ =	shalt  }
0x69: {  	_ =	shalt  }
0x6a: {  	_ =	shalt  }
0x6b: {  	_ =	shalt  }
0x6c: {  	_ =	shalt  }
0x6d: {  	_ =	shalt  }
0x6e: {  	_ =	shalt  }
0x6f: {  	_ =	shalt  }
0x70: {  	_ =	shalt  }
0x71: {  	_ =	shalt  }
0x72: {  	_ =	shalt  }
0x73: {  	_ =	shalt  }
0x74: {  	_ =	shalt  }
0x75: {  	_ =	shalt  }
0x76: {  	_ =	shalt  }
0x77: {  	_ =	shalt  }
0x78: {  	_ =	shalt  }
0x79: {  	_ =	shalt  }
0x7a: {  	_ =	shalt  }
0x7b: {  	_ =	shalt  }
0x7c: {  	_ =	shalt  }
0x7d: {  	_ =	shalt  }
0x7e: {  	_ =	shalt  }
0x7f: {  	_ =	shalt  }
0x80: {  	_ =	shalt  }
0x81: {  	_ =	shalt  }
0x82: {  	_ =	shalt  }
0x83: {  	_ =	shalt  }
0x84: {  	_ =	shalt  }
0x85: {  	_ =	shalt  }
0x86: {  	_ =	shalt  }
0x87: {  	_ =	shalt  }
.Lfunc_end0:
.L_simem_size_0:
called_computation_lowered:
.L_overlay_start_0:
0x88: {  	s2 =	sld [smem:$0x3FD9]  }
0x89: {  	s3 =	sld [smem:$0x3FFE];
	_ =	sdelay $0x1  }
0x8a: {  	s1 =	srdreg.scid  }
0x8b: {  	s0 =	sand.u32 $0x1, s1  }
0x8c: {  	s17 =	sshll.u32 s0, $0xA;
	s2 =	sadd.s32 s3, s2  }
0x8d: {  	s2 =	sadd.s32 s2, s17  }
0x8e: {  	[smem:$0x3FB1] =	sst s2  }
0x8f: {  	_ = 	snop  }
0x90: {  	s2 =	sld [smem:$0x3FC9]  }
0x91: {  	s18 =	sld [smem:$0x3FD0];
	(tm) =	ssettm $0x1  }
0x92: {  	s4 =	sld [smem:$0x3FFB];
	_ =	sdelay $0x3  }
0x93: {  	_ =	strace s4  }
0x94: {  	s4 =	sld [smem:$0x3FFC];
	_ =	sdelay $0x3  }
0x95: {  	_ =	strace s4  }
0x96: {  	s4 =	sld [smem:$0x3FFD];
	_ =	sdelay $0x3  }
0x97: {  	_ =	strace s4  }
0x98: {  	_ =	strace $0x8FFFFFFF  }
0x99: {  	s19 =	sld [smem:$0x3FDB];
	_ =	sdelay $0x1  }
0x9a: {  	s5 =	simm.s32 $_scs_section_size  }
0x9b: {  	s6 =	simm.s32 $_size__tile_overlayer_lowered;
	s7 =	simm.s32 $_tile_overlayer_lowered  }
0x9c: {  	s22 =	simm.s32 $0x1BFF;
	s21 =	sshll.u32 s7, $0x1;
	s4 =	sadd.s32 s5, s19  }
0x9d: {  	s8 =	simm.s32 $0x0;
	s20 =	sshll.u32 s6, $0x1;
	s6 =	sadd.s32 s21, s4  }
0x9e: {  	[timem:s8], [sflag:s22] =	dma.local [hbm:s6], s20  }
0x9f: {  	_ =	swait.ge [sflag:s22], s20  }
0xa0: {  	s5 =	ssub.s32 $0x0, s20;
	[sflag:s22] =	ssyncset.done $0x0  }
0xa1: {  	[sflag:s22] =	ssyncadd.s32 s5;
	_ =	sdelay $0x1  }
0xa2: {  	s23 =	simm.s32 $0x1B8B  }
0xa3: {  	_ =	swait.ge [sflag:s23], $0x1  }
0xa4: {  	[sflag:s23] =	ssyncset.done $0x0  }
0xa5: {  	s25 =	simm.s32 $0x1B8E;
	s24 =	sld [smem:$0x3FFE];
	[sflag:s23] =	ssyncadd.s32 $0xFFFFFFFF  }
0xa6: {  	s26 =	simm.s32 $execute0_lowered;
	[smem:$0x3FD2] =	sst s25  }
0xa7: {  	s6 =	sshll.u32 s26, $0x1;
	_ =	strace $0x80000046;
	[dreg:$0x1] =	wrdreg $0xFFFFFFFF  }
0xa8: {  	s28 =	simm.s32 $_size_execute0_lowered;
	s4 =	sadd.s32 s4, s6;
	[dreg:$0x0] =	wrdreg $0x0  }
0xa9: {  	s6 =	sshll.u32 s28, $0x1;
	[dreg:$0x2] =	wrdreg s4  }
0xaa: {  	[dreg:$0x3] =	wrdreg s6  }
0xab: {  	[dreg:$0x4] =	wrdreg $0xC0  }
0xac: {  	_ =	task [dreg:s8], $0x5FFFF  }
0xad: {  	[dreg:$0x1] =	wrdreg $0xFFFFFFFF  }
0xae: {  	[dreg:$0x0] =	wrdreg $0x60  }
0xaf: {  	[dreg:$0x2] =	wrdreg s2  }
0xb0: {  	[dreg:$0x3] =	wrdreg s18  }
0xb1: {  	[dreg:$0x4] =	wrdreg s24  }
0xb2: {  	[dreg:$0x5] =	wrdreg $0x9  }
0xb3: {  	_ =	task.clear_ibuf [dreg:s8], $0x6FFFF;
	_ =	strace $0x90000046  }
0xb4: {  	s29 =	simm.s32 $0x9;
	_ =	strace $0x80000048  }
0xb5: {  	_ =	swait.ge [sflag:s29], $0x1  }
0xb6: {  	[sflag:s29] =	ssyncadd.s32 $0xFFFFFFFF  }
0xb7: {  	_ =	strace $0x90000048  }
0xb8: {  	_ =	sfence  }
0xb9: {  	s30 =	sld [smem:$0x0];
	_ =	sdelay $0x2  }
0xba: {  	s31 =	sshll.u32 s1, $0xD;
	s1 =	sshrl.u32 s1, $0x2  }
0xbb: {  	s3 =	sand.u32 $0x4000, s31;
	s1 =	sadd.s32 s1, s30  }
0xbc: {  	s0 =	sor.u32 s3, s0;
	s1 =	sshll.u32 s1, $0x11  }
0xbd: {  	s0 =	sor.u32 s1, s0  }
0xbe: {  	s0 =	sadd.s32 $0x8F2B, s0  }
0xbf: {  	[sflag:s0] =	ssyncadd.remote.s32 $0x1  }
0xc0: {  	_ =	sfence.sel $0xFFFF  }
0xc1: {  	[dreg:$0x0] =	wrdreg $0xFFFFFFFF;
	(pc) =	sbr.abs _section_cstart, $3  }
0xc2: {  	[dreg:$0x1] =	wrdreg $0xFFFFFFFF  }
0xc3: {  	_ =	task.clear_ibuf [dreg:s8], $0x2FFFF;
	_ =	strace $0x9FFFFFFF  }
0xc4: {  	(tm) =	ssettm $0x7FFFFFFF  }
0xc5: {  	_ =	shalt  }
tec
execute0_lowered:
.L_overlay_start_1:
0x0: {  	(tag) =	ssettag $0x1  }
0x1: {  	s1 =	rddreg [dreg:$0x0]  }
0x2: {  	s4 =	rddreg [dreg:$0x1]  }
0x3: {  	s5 =	rddreg [dreg:$0x2]  }
0x4: {  	s0 =	rddreg [dreg:$0x3];
	s6 =	srdreg.scid  }
0x5: {  	s2 =	stileid.u32;
	s3 =	simm.s32 $0x0;
	s12 =	simm.s32 $0x3B00  }
0x6: {  	s13 =	simm.s32 $0x1;
	s14 =	simm.s32 $0x7700;
	s15 =	simm.s32 $0x2  }
0x7: {  	s16 =	simm.s32 $0x3;
	s17 =	simm.s32 $0x4;
	s18 =	simm.s32 $0x3A20  }
0x8: {  	s6 =	sand.u32 $0x1, s6;
	s7 =	sshll.u32 s2, $0x1;
	s30 =	smul.u32 $0x75300, s2  }
0x9: {  	s19 =	simm.s32 $0x0;
	s7 =	sor.u32 s6, s7;
	s31 =	smul.u32 $0x3A980, s6  }
0xa: {  	[smem:$0x7FF] =	sst s3;
	s8 =	ssub.s32 $0x2, s6;
	s9 =	smul.u32 $0x1D4C00, s7  }
0xb: {  	s10 =	sadd.s32 $0x2E00, s5;
	s26 =	sshrl.u32 s8, $0x1;
	s11 =	smul.u32 $0x3A98, s7  }
0xc: {  	_ =	strace $0x80000047;
	s7 =	smul.u32 $0x3A980, s7;
	s8 =	ssub.s32 s8, s26  }
0xd: {  	s28 =	sshrl.u32 s9, $0x3;
	s29 =	sshrl.u32 s11, $0x3;
	s6 =	smax.u32 s8, $0x1  }
0xe: {  	s7 =	sadd.s32 s10, s7;
	s11 =	simm.s32 $0x78;
	s5 =	sadd.s32 s10, s28  }
0xf: {  	s4 =	sadd.s32 s4, s29;
	s10 =	sadd.s32 s30, s10;
	s8 =	sadd.s32 $0x780, s7  }
0x10: {  	s5 =	sadd.s32 $0x3A200, s5;
	s9 =	sadd.s32 s31, s10;
	s10 =	simm.s32 $0x5  }
.LBB2_1:
0x11: {  	[tilespmem:s3], [sflag:$0x5] =	stream.linear.gather [hbm4b:s4+s3], $0x3A98, $0x38;
	[tilespmem:$0xB300] =	vst v63  }
0x12: {  	_ =	swait.ge [sflag:s10], $0x3A98  }
0x13: {  	[sflag:s10] =	ssyncset.done $0x0  }
0x14: {  	[sflag:s10] =	ssyncadd.s32 $0xFFFFC568  }
0x15: {  	[tilespmem:s12], [sflag:$0x1] =	stream.indirect.gather [hbm4b:s1+s11], $0x80, s3, s11, $0xb8;
	[tilespmem:$0xB300] =	vst v63  }
0x16: {  	_ =	swait.ge [sflag:s13], $0x3C00  }
0x17: {  	[sflag:s13] =	ssyncset.done $0x0  }
0x18: {  	[sflag:s13] =	ssyncadd.s32 $0xFFFFC400  }
0x19: {  	[hbm4b:s7+s3] =	stream.linear.scatter [tilespmem:s12], [sflag:$0x3], $0x3C00, $0x38;
	[tilespmem:$0xB300] =	vst v63  }
0x1a: {  	_ = 	snop  }
0x1b: {  	[tilespmem:s14], [sflag:$0x2] =	stream.indirect.gather [hbm4b:s1+s11], $0x80, s11, s11, $0xb8;
	[tilespmem:$0xB300] =	vst v63  }
0x1c: {  	_ =	swait.ge [sflag:s15], $0x3C00  }
0x1d: {  	[sflag:s15] =	ssyncset.done $0x0  }
0x1e: {  	[sflag:s15] =	ssyncadd.s32 $0xFFFFC400  }
0x1f: {  	[hbm4b:s8+s3] =	stream.linear.scatter [tilespmem:s14], [sflag:$0x4], $0x3C00, $0x38;
	[tilespmem:$0xB300] =	vst v63  }
0x20: {  	_ =	swait.ge [sflag:s16], $0x3C00  }
0x21: {  	[sflag:s16] =	ssyncset.done $0x0  }
0x22: {  	s20 =	simm.s32 $0xF0;
	[sflag:s16] =	ssyncadd.s32 $0xFFFFC400  }
0x23: {  	[tilespmem:s12], [sflag:$0x1] =	stream.indirect.gather [hbm4b:s1+s11], $0x80, s20, s11, $0xb8;
	[tilespmem:$0xB300] =	vst v63  }
0x24: {  	_ =	swait.ge [sflag:s13], $0x3C00  }
0x25: {  	s21 =	sadd.s32 $0x0, s9;
	[sflag:s13] =	ssyncset.done $0x0  }
0x26: {  	s30 =	sadd.s32 $0xF00, s21;
	[sflag:s13] =	ssyncadd.s32 $0xFFFFC400  }
0x27: {  	[hbm4b:s30+s3] =	stream.linear.scatter [tilespmem:s12], [sflag:$0x3], $0x3C00, $0x38;
	[tilespmem:$0xB300] =	vst v63  }
0x28: {  	_ =	swait.ge [sflag:s17], $0x3C00  }
0x29: {  	[sflag:s17] =	ssyncset.done $0x0  }
0x2a: {  	s31 =	simm.s32 $0x168;
	[sflag:s17] =	ssyncadd.s32 $0xFFFFC400  }
0x2b: {  	[tilespmem:s14], [sflag:$0x2] =	stream.indirect.gather [hbm4b:s1+s11], $0x80, s31, s11, $0xb8;
	[tilespmem:$0xB300] =	vst v63  }
0x2c: {  	_ =	swait.ge [sflag:s15], $0x3C00  }
0x2d: {  	s22 =	sadd.s32 $0x1680, s21;
	[sflag:s15] =	ssyncset.done $0x0  }
0x2e: {  	s21 =	simm.s32 $0x258;
	s20 =	simm.s32 $0xF00;
	[sflag:s15] =	ssyncadd.s32 $0xFFFFC400  }
.LBB2_2:
0x2f: {  	[hbm4b:s22+s3] =	stream.linear.scatter [tilespmem:s14], [sflag:$0x4], $0x3C00, $0x38;
	[tilespmem:$0xB300] =	vst v63  }
0x30: {  	s22 =	smov.u32 s20  }
0x31: {  	p0 =	sne.s32 s20, $0x38400;
	s20 =	sadd.s32 $0xF00, s20;
	_ =	swait.ge [sflag:s16], $0x3C00  }
0x32: {  	[sflag:s16] =	ssyncset.done $0x0  }
0x33: {  	s23 =	sadd.s32 $0xFFFFFF88, s21;
	[sflag:s16] =	ssyncadd.s32 $0xFFFFC400  }
0x34: {  	[tilespmem:s12], [sflag:$0x1] =	stream.indirect.gather [hbm4b:s1+s11], $0x80, s23, s11, $0xb8;
	[tilespmem:$0xB300] =	vst v63  }
0x35: {  	_ =	swait.ge [sflag:s13], $0x3C00  }
0x36: {  	s22 =	sadd.s32 s22, s9;
	[sflag:s13] =	ssyncset.done $0x0  }
0x37: {  	s23 =	sadd.s32 $0xF00, s22;
	[sflag:s13] =	ssyncadd.s32 $0xFFFFC400  }
0x38: {  	[hbm4b:s23+s3] =	stream.linear.scatter [tilespmem:s12], [sflag:$0x3], $0x3C00, $0x38;
	[tilespmem:$0xB300] =	vst v63  }
0x39: {  	_ =	swait.ge [sflag:s17], $0x3C00  }
0x3a: {  	[sflag:s17] =	ssyncset.done $0x0  }
.Ltmp0:
0x3b: {  	[sflag:s17] =	ssyncadd.s32 $0xFFFFC400;
	(pc) =	sbr.rel @p0 .LBB2_2-.Ltmp0, $4  }
0x3c: {  	[tilespmem:s14], [sflag:$0x2] =	stream.indirect.gather [hbm4b:s1+s11], $0x80, s21, s11, $0xb8;
	[tilespmem:$0xB300] =	vst v63  }
0x3d: {  	_ =	swait.ge [sflag:s15], $0x3C00  }
0x3e: {  	[sflag:s15] =	ssyncset.done $0x0  }
0x3f: {  	s22 =	sadd.s32 $0x1680, s22;
	s21 =	sadd.s32 $0xF0, s21;
	[sflag:s15] =	ssyncadd.s32 $0xFFFFC400  }
0x40: {  	[hbm4b:s22+s3] =	stream.linear.scatter [tilespmem:s14], [sflag:$0x4], $0x3C00, $0x38;
	[tilespmem:$0xB300] =	vst v63  }
0x41: {  	_ =	swait.ge [sflag:s16], $0x3C00  }
0x42: {  	[sflag:s16] =	ssyncset.done $0x0  }
0x43: {  	[sflag:s16] =	ssyncadd.s32 $0xFFFFC400  }
0x44: {  	[tilespmem:s12], [sflag:$0x1] =	stream.indirect.gather [hbm4b:s1+s11], $0x80, s18, s11, $0xb8;
	[tilespmem:$0xB300] =	vst v63  }
0x45: {  	_ =	swait.ge [sflag:s13], $0x3C00  }
0x46: {  	[sflag:s13] =	ssyncset.done $0x0  }
0x47: {  	s19 =	sadd.s32 $0x1, s19;
	[sflag:s13] =	ssyncadd.s32 $0xFFFFC400  }
0x48: {  	[hbm4b:s5+s3] =	stream.linear.scatter [tilespmem:s12], [sflag:$0x3], $0x3C00, $0x38;
	[tilespmem:$0xB300] =	vst v63  }
0x49: {  	p0 =	sne.s32 s19, s6;
	_ =	swait.ge [sflag:s16], $0x3C00  }
.Ltmp1:
0x4a: {  	[sflag:s16] =	ssyncset.done $0x0;
	(pc) =	sbr.rel @p0 .LBB2_1-.Ltmp1, $4  }
0x4b: {  	[sflag:s16] =	ssyncadd.s32 $0xFFFFC400  }
0x4c: {  	_ =	swait.ge [sflag:s17], $0x3C00  }
0x4d: {  	[sflag:s17] =	ssyncset.done $0x0  }
0x4e: {  	[sflag:s17] =	ssyncadd.s32 $0xFFFFC400  }
0x4f: {  	_ =	sfence.sel $0x180000  }
0x50: {  	[bflag:$0x0] =	sbarrier.arrive $0xFFFF  }
0x51: {  	p0 =	sne.s32 s2, $0x0;
	_ =	strace $0x90000047  }
0x52: {  	s0 =	sadd.s32 @!p0 $0x100000, s0;
	[bflag:$0x2] =	sbarrier.arrive $0xFFFF  }
0x53: {  	[sflag:s0] =	ssyncadd.tile.s32 @!p0 $0x1;
	_ =	shalt  }
.Lfunc_end2:
_tile_overlayer_lowered:
.L_overlay_start_2:
0x54: {  	(tag) =	ssettag $0x2  }
0x55: {  	s0 =	rddreg [dreg:$0x0];
	s2 =	stileid.u32  }
0x56: {  	s1 =	rddreg [dreg:$0x1];
	p0 =	sne.s32 s2, $0x0  }
0x57: {  	s3 =	rddreg [dreg:$0x2];
	[bflag:$0x3] =	sbarrier.arrive $0xFFFF;
	s2 =	simm.s32 @!p0 $0x1C05  }
0x58: {  	[timem:s3], [sflag:s2] =	dma.local @!p0 [hbm:s0], s1  }
0x59: {  	s0 =	simm.s32 @!p0 $0x5  }
0x5a: {  	_ =	swait.ge @!p0 [sflag:s0], s1  }
0x5b: {  	s1 =	ssub.s32 @!p0 $0x0, s1;
	[sflag:s0] =	ssyncset.done @!p0 $0x0  }
0x5c: {  	[sflag:s0] =	ssyncadd.s32 @!p0 s1  }
0x5d: {  	[bflag:$0x3] =	sbarrier.arrive $0xFFFF  }
0x5e: {  	_ =	shalt  }

</sc_bundles>
